<compile_context>
chip_gen: v7x
topology: tpu7x:2x2x1
jax: 0.10.2.dev20260603
libtpu: 0.0.44.dev20260713+nightly
codegen_flags: <defaults>
</compile_context>

<pallas_src>
import math

import jax
import jax.numpy as jnp
from jax import lax
from jax.experimental import pallas as pl
from jax.experimental.pallas import tpu as pltpu
from jax.experimental.pallas import tpu_sc as plsc

_EM = math.exp(-1e-6 - 1.0)

_P = 1024
_M = 64
_NC = 2
_NS = 16
_NW = _NC * _NS
_ROWS = _P // _NW
_L = 16
_BR = 4
_NB = _ROWS // _BR


def _sc_body(nei_hbm, cnt_hbm, nei_v0, nei_v1, cnt_v, sem0, sem1):
    wid = lax.axis_index("s") * _NC + lax.axis_index("c")
    base = wid * _ROWS
    bufs = (nei_v0, nei_v1)
    sems = (sem0, sem1)

    zero = jnp.zeros((_L,), jnp.float32)
    one = jnp.full((_L,), 1.0, jnp.float32)

    pltpu.async_copy(nei_hbm.at[pl.ds(base * _P, _BR * _P)], nei_v0,
                     sem0).wait()
    for b in range(_NB):
        buf = bufs[b % 2]
        if b + 1 < _NB:
            nxt = pltpu.async_copy(
                nei_hbm.at[pl.ds((base + (b + 1) * _BR) * _P, _BR * _P)],
                bufs[(b + 1) % 2], sems[(b + 1) % 2])
        for rr in range(_BR):
            def chunk_body(jc, cv, buf=buf, rr=rr):
                nv = buf[pl.ds(rr * _P + jc * _L, _L)]
                return cv + jnp.where(nv > 0, one, zero)

            cv = lax.fori_loop(0, _P // _L, chunk_body, zero)
            cnt_v[pl.ds((b * _BR + rr) * _L, _L)] = cv
        if b + 1 < _NB:
            nxt.wait()

    pltpu.sync_copy(cnt_v, cnt_hbm.at[pl.ds(base * _L, _ROWS * _L)])


_sc_call = pl.kernel(
    _sc_body,
    out_type=jax.ShapeDtypeStruct((_P * _L,), jnp.float32),
    mesh=plsc.VectorSubcoreMesh(core_axis_name="c", subcore_axis_name="s"),
    scratch_types=[
        pltpu.VMEM((_BR * _P,), jnp.int32),
        pltpu.VMEM((_BR * _P,), jnp.int32),
        pltpu.VMEM((_ROWS * _L,), jnp.float32),
        pltpu.SemaphoreType.DMA,
        pltpu.SemaphoreType.DMA,
    ],
)


def _tc_body(hs_ref, nei_ref, out_ref):
    mf = (nei_ref[...] > 0).astype(jnp.float32)
    out_ref[...] = jnp.dot(mf, hs_ref[...],
                           preferred_element_type=jnp.float32)


def _ep_body(acc_ref, cnt_ref, hs_ref, out_ref):
    k = jnp.sum(cnt_ref[...], axis=1, keepdims=True)
    scale = 1.0 / (k + (_P - k) * _EM)
    has = jnp.any(k > 0.0)
    out_ref[...] = jnp.where(has, acc_ref[...] * scale, hs_ref[...])


def kernel(hidden_state, corr_index, nei_index):
    del corr_index
    lane_cnt = _sc_call(nei_index.reshape(-1))
    return hidden_state * lane_cnt.reshape(_P, _L).sum(axis=1, keepdims=True)

# --- scband reference (transcript-rebuilt; emitter-appended) ---
"""Pipeline reference for scband-social-interaction5-16716012716119 (READ-ONLY COPY).

The authoritative reference and input builder live on the scoring server;
editing this copy changes nothing except your own understanding.
"""

import jax, jax.numpy as jnp
import numpy as np


def setup_inputs(seed: int = 0) -> dict:
    key = jax.random.key(seed)
    k1, k2, k3 = jax.random.split(key, 3)
    ped_num = 1024
    m_dim = 64
    hidden_state = jax.random.normal(k1, (ped_num, m_dim), dtype=jnp.float32)
    corr_index = jax.random.normal(k2, (ped_num, ped_num, 2), dtype=jnp.float32)
    nei_index = jax.random.randint(k3, (ped_num, ped_num), 0, 2, dtype=jnp.int32)
    return {"hidden_state": hidden_state, "corr_index": corr_index, "nei_index": nei_index}


def reference(hidden_state, corr_index, nei_index):
    ped_num, m_dim = hidden_state.shape
    # nei_inputs = hidden_state.repeat(ped_num, 1) -> tile along rows: [P*P, m]
    nei_inputs = jnp.tile(hidden_state, (ped_num, 1))
    nei_index_t = nei_index.reshape(-1)
    mask = nei_index_t > 0  # [P*P]
    # Pos_t: 1 where neighbor, else 0; then zeros replaced by -1e-6; row softmax
    Pos = jnp.where(mask, 1.0, -1e-06).reshape(ped_num, ped_num).astype(jnp.float32)
    Pos = jax.nn.softmax(Pos, axis=1)
    Pos_t = Pos.reshape(-1)
    # H: scatter-overwrite masked rows with weighted neighbor states, zeros elsewhere
    H = jnp.where(mask[:, None], nei_inputs * Pos_t[:, None], 0.0)
    H = H.reshape(ped_num, ped_num, m_dim)
    social_tensor = jnp.sum(H, axis=1)
    # original early-returns hidden_state when there are no neighbors at all
    has_nei = jnp.any(mask)
    return jnp.where(has_nei, social_tensor, hidden_state)

if __name__ == "__main__":
    import jax
    _d = setup_inputs()
    print(jax.jit(kernel)(*tuple(_d.values())))

</pallas_src>

<mosaic_0001>
#map = affine_map<(d0, d1) -> (0)>
module attributes {stable_mosaic.version = 14 : i64} {
  func.func @_sc_body(%arg0: i32, %arg1: i32, %arg2: memref<1048576xi32, #tpu.memory_space<hbm>>, %arg3: memref<16384xf32, #tpu.memory_space<hbm>>, %arg4: memref<4096xi32, #tpu.memory_space<vmem>>, %arg5: memref<4096xi32, #tpu.memory_space<vmem>>, %arg6: memref<512xf32, #tpu.memory_space<vmem>>, %arg7: memref<!tpu.dma_semaphore, #tpu.memory_space<semaphore_mem>>, %arg8: memref<!tpu.dma_semaphore, #tpu.memory_space<semaphore_mem>>) attributes {dimension_semantics = [#tpu.dimension_semantics<core_parallel>, #tpu.dimension_semantics<subcore_parallel>], iteration_bounds = array<i64: 2, 16>, scalar_prefetch = 0 : i64, scratch_operands = 5 : i64, tpu.core_type = #tpu.core_type<sc_vector_subcore>, window_params = [{transform_indices = #map}, {transform_indices = #map}]} {
    %mul3A = arith.constant 2 : i32
    %mul3A_0 = arith.muli %arg1, %mul3A : i32
    %add3A = arith.addi %mul3A_0, %arg0 : i32
    %mul3A_1 = arith.constant 32 : i32
    %mul3A_2 = arith.muli %add3A, %mul3A_1 : i32
    %broadcast_in_dim3A = arith.constant 0.000000e+00 : f32
    %broadcast_in_dim3A_3 = vector.broadcast %broadcast_in_dim3A : f32 to vector<16xf32>
    %broadcast_in_dim3A_4 = arith.constant 1.000000e+00 : f32
    %broadcast_in_dim3A_5 = vector.broadcast %broadcast_in_dim3A_4 : f32 to vector<16xf32>
    %mul3A_6 = arith.constant 1024 : i32
    %mul3A_7 = arith.muli %mul3A_2, %mul3A_6 : i32
    %dma_start3A = tpu.memref_slice %arg2[%mul3A_7] : memref<1048576xi32, #tpu.memory_space<hbm>> -> memref<4096xi32, #tpu.memory_space<hbm>>
    %dma_start3A_8 = tpu.memref_slice %arg2[%mul3A_7] : memref<1048576xi32, #tpu.memory_space<hbm>> -> memref<4096xi32, #tpu.memory_space<hbm>>
    tpu.enqueue_dma source(%dma_start3A_8 : memref<4096xi32, #tpu.memory_space<hbm>>) target(%arg4 : memref<4096xi32, #tpu.memory_space<vmem>>) target_semaphore(%arg7 : memref<!tpu.dma_semaphore, #tpu.memory_space<semaphore_mem>>)
    %dma_wait3A = tpu.memref_slice %arg2[%mul3A_7] : memref<1048576xi32, #tpu.memory_space<hbm>> -> memref<4096xi32, #tpu.memory_space<hbm>>
    %dma_wait3A_9 = tpu.memref_slice %arg2[%mul3A_7] : memref<1048576xi32, #tpu.memory_space<hbm>> -> memref<4096xi32, #tpu.memory_space<hbm>>
    tpu.wait_dma2 semaphore(%arg7 : memref<!tpu.dma_semaphore, #tpu.memory_space<semaphore_mem>>) src(%dma_wait3A_9 : memref<4096xi32, #tpu.memory_space<hbm>>) dst(%arg4 : memref<4096xi32, #tpu.memory_space<vmem>>)
    %add3A_10 = arith.constant 4 : i32
    %add3A_11 = arith.addi %mul3A_2, %add3A_10 : i32
    %mul3A_12 = arith.constant 1024 : i32
    %mul3A_13 = arith.muli %add3A_11, %mul3A_12 : i32
    %dma_start3A_14 = tpu.memref_slice %arg2[%mul3A_13] : memref<1048576xi32, #tpu.memory_space<hbm>> -> memref<4096xi32, #tpu.memory_space<hbm>>
    %dma_start3A_15 = tpu.memref_slice %arg2[%mul3A_13] : memref<1048576xi32, #tpu.memory_space<hbm>> -> memref<4096xi32, #tpu.memory_space<hbm>>
    tpu.enqueue_dma source(%dma_start3A_15 : memref<4096xi32, #tpu.memory_space<hbm>>) target(%arg5 : memref<4096xi32, #tpu.memory_space<vmem>>) target_semaphore(%arg8 : memref<!tpu.dma_semaphore, #tpu.memory_space<semaphore_mem>>)
    %scan3A = arith.constant 0 : i32
    %scan3A_16 = arith.constant 64 : i32
    %scan3A_17 = arith.addi %scan3A, %scan3A_16 : i32
    %scan3A_18 = arith.constant 1 : i32
    %scan3A_19 = scf.for %scan3A_386 = %scan3A to %scan3A_17 step %scan3A_18 iter_args(%scan3A_387 = %broadcast_in_dim3A_3) -> (vector<16xf32>)  : i32 {
      %mul3A_388 = arith.constant 16 : i32
      %mul3A_389 = arith.muli %scan3A_386, %mul3A_388 : i32
      %add3A_390 = arith.constant 0 : i32
      %add3A_391 = arith.addi %add3A_390, %mul3A_389 : i32
      %get3A = arith.index_cast %add3A_391 : i32 to index
      %get3A_392 = tpu.vector_load %arg4[%get3A] {strides = array<i32>} : memref<4096xi32, #tpu.memory_space<vmem>>, vector<16xi32>,
      %get3A_393 = vector.shape_cast %get3A_392 : vector<16xi32> to vector<16xi32>
      %gt3A = arith.constant 0 : i32
      %gt3A_394 = vector.broadcast %gt3A : i32 to vector<16xi32>
      %gt3A_395 = arith.cmpi sgt, %get3A_393, %gt3A_394 : vector<16xi32>
      %select_n3A = arith.select %gt3A_395, %broadcast_in_dim3A_5, %broadcast_in_dim3A_3 : vector<16xi1>, vector<16xf32>
      %add3A_396 = arith.addf %scan3A_387, %select_n3A : vector<16xf32>
      scf.yield %add3A_396 : vector<16xf32>
    }
    %scan3A_20 = arith.constant 64 : i32
    %swap3A = arith.constant 0 : index
    %swap3A_21 = tpu.vector_load %arg6[%swap3A] {strides = array<i32>} : memref<512xf32, #tpu.memory_space<vmem>>, vector<16xf32>,
    %swap3A_22 = vector.shape_cast %swap3A_21 : vector<16xf32> to vector<16xf32>
    %swap3A_23 = vector.shape_cast %scan3A_19 : vector<16xf32> to vector<16xf32>
    tpu.vector_store %arg6[%swap3A], %swap3A_23 {strides = array<i32>} : memref<512xf32, #tpu.memory_space<vmem>>, vector<16xf32>,
    %scan3A_24 = arith.constant 0 : i32
    %scan3A_25 = arith.constant 64 : i32
    %scan3A_26 = arith.addi %scan3A_24, %scan3A_25 : i32
    %scan3A_27 = arith.constant 1 : i32
    %scan3A_28 = scf.for %scan3A_386 = %scan3A_24 to %scan3A_26 step %scan3A_27 iter_args(%scan3A_387 = %broadcast_in_dim3A_3) -> (vector<16xf32>)  : i32 {
      %mul3A_388 = arith.constant 16 : i32
      %mul3A_389 = arith.muli %scan3A_386, %mul3A_388 : i32
      %add3A_390 = arith.constant 1024 : i32
      %add3A_391 = arith.addi %add3A_390, %mul3A_389 : i32
      %get3A = arith.index_cast %add3A_391 : i32 to index
      %get3A_392 = tpu.vector_load %arg4[%get3A] {strides = array<i32>} : memref<4096xi32, #tpu.memory_space<vmem>>, vector<16xi32>,
      %get3A_393 = vector.shape_cast %get3A_392 : vector<16xi32> to vector<16xi32>
      %gt3A = arith.constant 0 : i32
      %gt3A_394 = vector.broadcast %gt3A : i32 to vector<16xi32>
      %gt3A_395 = arith.cmpi sgt, %get3A_393, %gt3A_394 : vector<16xi32>
      %select_n3A = arith.select %gt3A_395, %broadcast_in_dim3A_5, %broadcast_in_dim3A_3 : vector<16xi1>, vector<16xf32>
      %add3A_396 = arith.addf %scan3A_387, %select_n3A : vector<16xf32>
      scf.yield %add3A_396 : vector<16xf32>
    }
    %scan3A_29 = arith.constant 64 : i32
    %swap3A_30 = arith.constant 16 : index
    %swap3A_31 = tpu.vector_load %arg6[%swap3A_30] {strides = array<i32>} : memref<512xf32, #tpu.memory_space<vmem>>, vector<16xf32>,
    %swap3A_32 = vector.shape_cast %swap3A_31 : vector<16xf32> to vector<16xf32>
    %swap3A_33 = vector.shape_cast %scan3A_28 : vector<16xf32> to vector<16xf32>
    tpu.vector_store %arg6[%swap3A_30], %swap3A_33 {strides = array<i32>} : memref<512xf32, #tpu.memory_space<vmem>>, vector<16xf32>,
    %scan3A_34 = arith.constant 0 : i32
    %scan3A_35 = arith.constant 64 : i32
    %scan3A_36 = arith.addi %scan3A_34, %scan3A_35 : i32
    %scan3A_37 = arith.constant 1 : i32
    %scan3A_38 = scf.for %scan3A_386 = %scan3A_34 to %scan3A_36 step %scan3A_37 iter_args(%scan3A_387 = %broadcast_in_dim3A_3) -> (vector<16xf32>)  : i32 {
      %mul3A_388 = arith.constant 16 : i32
      %mul3A_389 = arith.muli %scan3A_386, %mul3A_388 : i32
      %add3A_390 = arith.constant 2048 : i32
      %add3A_391 = arith.addi %add3A_390, %mul3A_389 : i32
      %get3A = arith.index_cast %add3A_391 : i32 to index
      %get3A_392 = tpu.vector_load %arg4[%get3A] {strides = array<i32>} : memref<4096xi32, #tpu.memory_space<vmem>>, vector<16xi32>,
      %get3A_393 = vector.shape_cast %get3A_392 : vector<16xi32> to vector<16xi32>
      %gt3A = arith.constant 0 : i32
      %gt3A_394 = vector.broadcast %gt3A : i32 to vector<16xi32>
      %gt3A_395 = arith.cmpi sgt, %get3A_393, %gt3A_394 : vector<16xi32>
      %select_n3A = arith.select %gt3A_395, %broadcast_in_dim3A_5, %broadcast_in_dim3A_3 : vector<16xi1>, vector<16xf32>
      %add3A_396 = arith.addf %scan3A_387, %select_n3A : vector<16xf32>
      scf.yield %add3A_396 : vector<16xf32>
    }
    %scan3A_39 = arith.constant 64 : i32
    %swap3A_40 = arith.constant 32 : index
    %swap3A_41 = tpu.vector_load %arg6[%swap3A_40] {strides = array<i32>} : memref<512xf32, #tpu.memory_space<vmem>>, vector<16xf32>,
    %swap3A_42 = vector.shape_cast %swap3A_41 : vector<16xf32> to vector<16xf32>
    %swap3A_43 = vector.shape_cast %scan3A_38 : vector<16xf32> to vector<16xf32>
    tpu.vector_store %arg6[%swap3A_40], %swap3A_43 {strides = array<i32>} : memref<512xf32, #tpu.memory_space<vmem>>, vector<16xf32>,
    %scan3A_44 = arith.constant 0 : i32
    %scan3A_45 = arith.constant 64 : i32
    %scan3A_46 = arith.addi %scan3A_44, %scan3A_45 : i32
    %scan3A_47 = arith.constant 1 : i32
    %scan3A_48 = scf.for %scan3A_386 = %scan3A_44 to %scan3A_46 step %scan3A_47 iter_args(%scan3A_387 = %broadcast_in_dim3A_3) -> (vector<16xf32>)  : i32 {
      %mul3A_388 = arith.constant 16 : i32
      %mul3A_389 = arith.muli %scan3A_386, %mul3A_388 : i32
      %add3A_390 = arith.constant 3072 : i32
      %add3A_391 = arith.addi %add3A_390, %mul3A_389 : i32
      %get3A = arith.index_cast %add3A_391 : i32 to index
      %get3A_392 = tpu.vector_load %arg4[%get3A] {strides = array<i32>} : memref<4096xi32, #tpu.memory_space<vmem>>, vector<16xi32>,
      %get3A_393 = vector.shape_cast %get3A_392 : vector<16xi32> to vector<16xi32>
      %gt3A = arith.constant 0 : i32
      %gt3A_394 = vector.broadcast %gt3A : i32 to vector<16xi32>
      %gt3A_395 = arith.cmpi sgt, %get3A_393, %gt3A_394 : vector<16xi32>
      %select_n3A = arith.select %gt3A_395, %broadcast_in_dim3A_5, %broadcast_in_dim3A_3 : vector<16xi1>, vector<16xf32>
      %add3A_396 = arith.addf %scan3A_387, %select_n3A : vector<16xf32>
      scf.yield %add3A_396 : vector<16xf32>
    }
    %scan3A_49 = arith.constant 64 : i32
    %swap3A_50 = arith.constant 48 : index
    %swap3A_51 = tpu.vector_load %arg6[%swap3A_50] {strides = array<i32>} : memref<512xf32, #tpu.memory_space<vmem>>, vector<16xf32>,
    %swap3A_52 = vector.shape_cast %swap3A_51 : vector<16xf32> to vector<16xf32>
    %swap3A_53 = vector.shape_cast %scan3A_48 : vector<16xf32> to vector<16xf32>
    tpu.vector_store %arg6[%swap3A_50], %swap3A_53 {strides = array<i32>} : memref<512xf32, #tpu.memory_space<vmem>>, vector<16xf32>,
    %dma_wait3A_54 = tpu.memref_slice %arg2[%mul3A_13] : memref<1048576xi32, #tpu.memory_space<hbm>> -> memref<4096xi32, #tpu.memory_space<hbm>>
    %dma_wait3A_55 = tpu.memref_slice %arg2[%mul3A_13] : memref<1048576xi32, #tpu.memory_space<hbm>> -> memref<4096xi32, #tpu.memory_space<hbm>>
    tpu.wait_dma2 semaphore(%arg8 : memref<!tpu.dma_semaphore, #tpu.memory_space<semaphore_mem>>) src(%dma_wait3A_55 : memref<4096xi32, #tpu.memory_space<hbm>>) dst(%arg5 : memref<4096xi32, #tpu.memory_space<vmem>>)
    %add3A_56 = arith.constant 8 : i32
    %add3A_57 = arith.addi %mul3A_2, %add3A_56 : i32
    %mul3A_58 = arith.constant 1024 : i32
    %mul3A_59 = arith.muli %add3A_57, %mul3A_58 : i32
    %dma_start3A_60 = tpu.memref_slice %arg2[%mul3A_59] : memref<1048576xi32, #tpu.memory_space<hbm>> -> memref<4096xi32, #tpu.memory_space<hbm>>
    %dma_start3A_61 = tpu.memref_slice %arg2[%mul3A_59] : memref<1048576xi32, #tpu.memory_space<hbm>> -> memref<4096xi32, #tpu.memory_space<hbm>>
    tpu.enqueue_dma source(%dma_start3A_61 : memref<4096xi32, #tpu.memory_space<hbm>>) target(%arg4 : memref<4096xi32, #tpu.memory_space<vmem>>) target_semaphore(%arg7 : memref<!tpu.dma_semaphore, #tpu.memory_space<semaphore_mem>>)
    %scan3A_62 = arith.constant 0 : i32
    %scan3A_63 = arith.constant 64 : i32
    %scan3A_64 = arith.addi %scan3A_62, %scan3A_63 : i32
    %scan3A_65 = arith.constant 1 : i32
    %scan3A_66 = scf.for %scan3A_386 = %scan3A_62 to %scan3A_64 step %scan3A_65 iter_args(%scan3A_387 = %broadcast_in_dim3A_3) -> (vector<16xf32>)  : i32 {
      %mul3A_388 = arith.constant 16 : i32
      %mul3A_389 = arith.muli %scan3A_386, %mul3A_388 : i32
      %add3A_390 = arith.constant 0 : i32
      %add3A_391 = arith.addi %add3A_390, %mul3A_389 : i32
      %get3A = arith.index_cast %add3A_391 : i32 to index
      %get3A_392 = tpu.vector_load %arg5[%get3A] {strides = array<i32>} : memref<4096xi32, #tpu.memory_space<vmem>>, vector<16xi32>,
      %get3A_393 = vector.shape_cast %get3A_392 : vector<16xi32> to vector<16xi32>
      %gt3A = arith.constant 0 : i32
      %gt3A_394 = vector.broadcast %gt3A : i32 to vector<16xi32>
      %gt3A_395 = arith.cmpi sgt, %get3A_393, %gt3A_394 : vector<16xi32>
      %select_n3A = arith.select %gt3A_395, %broadcast_in_dim3A_5, %broadcast_in_dim3A_3 : vector<16xi1>, vector<16xf32>
      %add3A_396 = arith.addf %scan3A_387, %select_n3A : vector<16xf32>
      scf.yield %add3A_396 : vector<16xf32>
    }
    %scan3A_67 = arith.constant 64 : i32
    %swap3A_68 = arith.constant 64 : index
    %swap3A_69 = tpu.vector_load %arg6[%swap3A_68] {strides = array<i32>} : memref<512xf32, #tpu.memory_space<vmem>>, vector<16xf32>,
    %swap3A_70 = vector.shape_cast %swap3A_69 : vector<16xf32> to vector<16xf32>
    %swap3A_71 = vector.shape_cast %scan3A_66 : vector<16xf32> to vector<16xf32>
    tpu.vector_store %arg6[%swap3A_68], %swap3A_71 {strides = array<i32>} : memref<512xf32, #tpu.memory_space<vmem>>, vector<16xf32>,
    %scan3A_72 = arith.constant 0 : i32
    %scan3A_73 = arith.constant 64 : i32
    %scan3A_74 = arith.addi %scan3A_72, %scan3A_73 : i32
    %scan3A_75 = arith.constant 1 : i32
    %scan3A_76 = scf.for %scan3A_386 = %scan3A_72 to %scan3A_74 step %scan3A_75 iter_args(%scan3A_387 = %broadcast_in_dim3A_3) -> (vector<16xf32>)  : i32 {
      %mul3A_388 = arith.constant 16 : i32
      %mul3A_389 = arith.muli %scan3A_386, %mul3A_388 : i32
      %add3A_390 = arith.constant 1024 : i32
      %add3A_391 = arith.addi %add3A_390, %mul3A_389 : i32
      %get3A = arith.index_cast %add3A_391 : i32 to index
      %get3A_392 = tpu.vector_load %arg5[%get3A] {strides = array<i32>} : memref<4096xi32, #tpu.memory_space<vmem>>, vector<16xi32>,
      %get3A_393 = vector.shape_cast %get3A_392 : vector<16xi32> to vector<16xi32>
      %gt3A = arith.constant 0 : i32
      %gt3A_394 = vector.broadcast %gt3A : i32 to vector<16xi32>
      %gt3A_395 = arith.cmpi sgt, %get3A_393, %gt3A_394 : vector<16xi32>
      %select_n3A = arith.select %gt3A_395, %broadcast_in_dim3A_5, %broadcast_in_dim3A_3 : vector<16xi1>, vector<16xf32>
      %add3A_396 = arith.addf %scan3A_387, %select_n3A : vector<16xf32>
      scf.yield %add3A_396 : vector<16xf32>
    }
    %scan3A_77 = arith.constant 64 : i32
    %swap3A_78 = arith.constant 80 : index
    %swap3A_79 = tpu.vector_load %arg6[%swap3A_78] {strides = array<i32>} : memref<512xf32, #tpu.memory_space<vmem>>, vector<16xf32>,
    %swap3A_80 = vector.shape_cast %swap3A_79 : vector<16xf32> to vector<16xf32>
    %swap3A_81 = vector.shape_cast %scan3A_76 : vector<16xf32> to vector<16xf32>
    tpu.vector_store %arg6[%swap3A_78], %swap3A_81 {strides = array<i32>} : memref<512xf32, #tpu.memory_space<vmem>>, vector<16xf32>,
    %scan3A_82 = arith.constant 0 : i32
    %scan3A_83 = arith.constant 64 : i32
    %scan3A_84 = arith.addi %scan3A_82, %scan3A_83 : i32
    %scan3A_85 = arith.constant 1 : i32
    %scan3A_86 = scf.for %scan3A_386 = %scan3A_82 to %scan3A_84 step %scan3A_85 iter_args(%scan3A_387 = %broadcast_in_dim3A_3) -> (vector<16xf32>)  : i32 {
      %mul3A_388 = arith.constant 16 : i32
      %mul3A_389 = arith.muli %scan3A_386, %mul3A_388 : i32
      %add3A_390 = arith.constant 2048 : i32
      %add3A_391 = arith.addi %add3A_390, %mul3A_389 : i32
      %get3A = arith.index_cast %add3A_391 : i32 to index
      %get3A_392 = tpu.vector_load %arg5[%get3A] {strides = array<i32>} : memref<4096xi32, #tpu.memory_space<vmem>>, vector<16xi32>,
      %get3A_393 = vector.shape_cast %get3A_392 : vector<16xi32> to vector<16xi32>
      %gt3A = arith.constant 0 : i32
      %gt3A_394 = vector.broadcast %gt3A : i32 to vector<16xi32>
      %gt3A_395 = arith.cmpi sgt, %get3A_393, %gt3A_394 : vector<16xi32>
      %select_n3A = arith.select %gt3A_395, %broadcast_in_dim3A_5, %broadcast_in_dim3A_3 : vector<16xi1>, vector<16xf32>
      %add3A_396 = arith.addf %scan3A_387, %select_n3A : vector<16xf32>
      scf.yield %add3A_396 : vector<16xf32>
    }
    %scan3A_87 = arith.constant 64 : i32
    %swap3A_88 = arith.constant 96 : index
    %swap3A_89 = tpu.vector_load %arg6[%swap3A_88] {strides = array<i32>} : memref<512xf32, #tpu.memory_space<vmem>>, vector<16xf32>,
    %swap3A_90 = vector.shape_cast %swap3A_89 : vector<16xf32> to vector<16xf32>
    %swap3A_91 = vector.shape_cast %scan3A_86 : vector<16xf32> to vector<16xf32>
    tpu.vector_store %arg6[%swap3A_88], %swap3A_91 {strides = array<i32>} : memref<512xf32, #tpu.memory_space<vmem>>, vector<16xf32>,
    %scan3A_92 = arith.constant 0 : i32
    %scan3A_93 = arith.constant 64 : i32
    %scan3A_94 = arith.addi %scan3A_92, %scan3A_93 : i32
    %scan3A_95 = arith.constant 1 : i32
    %scan3A_96 = scf.for %scan3A_386 = %scan3A_92 to %scan3A_94 step %scan3A_95 iter_args(%scan3A_387 = %broadcast_in_dim3A_3) -> (vector<16xf32>)  : i32 {
      %mul3A_388 = arith.constant 16 : i32
      %mul3A_389 = arith.muli %scan3A_386, %mul3A_388 : i32
      %add3A_390 = arith.constant 3072 : i32
      %add3A_391 = arith.addi %add3A_390, %mul3A_389 : i32
      %get3A = arith.index_cast %add3A_391 : i32 to index
      %get3A_392 = tpu.vector_load %arg5[%get3A] {strides = array<i32>} : memref<4096xi32, #tpu.memory_space<vmem>>, vector<16xi32>,
      %get3A_393 = vector.shape_cast %get3A_392 : vector<16xi32> to vector<16xi32>
      %gt3A = arith.constant 0 : i32
      %gt3A_394 = vector.broadcast %gt3A : i32 to vector<16xi32>
      %gt3A_395 = arith.cmpi sgt, %get3A_393, %gt3A_394 : vector<16xi32>
      %select_n3A = arith.select %gt3A_395, %broadcast_in_dim3A_5, %broadcast_in_dim3A_3 : vector<16xi1>, vector<16xf32>
      %add3A_396 = arith.addf %scan3A_387, %select_n3A : vector<16xf32>
      scf.yield %add3A_396 : vector<16xf32>
    }
    %scan3A_97 = arith.constant 64 : i32
    %swap3A_98 = arith.constant 112 : index
    %swap3A_99 = tpu.vector_load %arg6[%swap3A_98] {strides = array<i32>} : memref<512xf32, #tpu.memory_space<vmem>>, vector<16xf32>,
    %swap3A_100 = vector.shape_cast %swap3A_99 : vector<16xf32> to vector<16xf32>
    %swap3A_101 = vector.shape_cast %scan3A_96 : vector<16xf32> to vector<16xf32>
    tpu.vector_store %arg6[%swap3A_98], %swap3A_101 {strides = array<i32>} : memref<512xf32, #tpu.memory_space<vmem>>, vector<16xf32>,
    %dma_wait3A_102 = tpu.memref_slice %arg2[%mul3A_59] : memref<1048576xi32, #tpu.memory_space<hbm>> -> memref<4096xi32, #tpu.memory_space<hbm>>
    %dma_wait3A_103 = tpu.memref_slice %arg2[%mul3A_59] : memref<1048576xi32, #tpu.memory_space<hbm>> -> memref<4096xi32, #tpu.memory_space<hbm>>
    tpu.wait_dma2 semaphore(%arg7 : memref<!tpu.dma_semaphore, #tpu.memory_space<semaphore_mem>>) src(%dma_wait3A_103 : memref<4096xi32, #tpu.memory_space<hbm>>) dst(%arg4 : memref<4096xi32, #tpu.memory_space<vmem>>)
    %add3A_104 = arith.constant 12 : i32
    %add3A_105 = arith.addi %mul3A_2, %add3A_104 : i32
    %mul3A_106 = arith.constant 1024 : i32
    %mul3A_107 = arith.muli %add3A_105, %mul3A_106 : i32
    %dma_start3A_108 = tpu.memref_slice %arg2[%mul3A_107] : memref<1048576xi32, #tpu.memory_space<hbm>> -> memref<4096xi32, #tpu.memory_space<hbm>>
    %dma_start3A_109 = tpu.memref_slice %arg2[%mul3A_107] : memref<1048576xi32, #tpu.memory_space<hbm>> -> memref<4096xi32, #tpu.memory_space<hbm>>
    tpu.enqueue_dma source(%dma_start3A_109 : memref<4096xi32, #tpu.memory_space<hbm>>) target(%arg5 : memref<4096xi32, #tpu.memory_space<vmem>>) target_semaphore(%arg8 : memref<!tpu.dma_semaphore, #tpu.memory_space<semaphore_mem>>)
    %scan3A_110 = arith.constant 0 : i32
    %scan3A_111 = arith.constant 64 : i32
    %scan3A_112 = arith.addi %scan3A_110, %scan3A_111 : i32
    %scan3A_113 = arith.constant 1 : i32
    %scan3A_114 = scf.for %scan3A_386 = %scan3A_110 to %scan3A_112 step %scan3A_113 iter_args(%scan3A_387 = %broadcast_in_dim3A_3) -> (vector<16xf32>)  : i32 {
      %mul3A_388 = arith.constant 16 : i32
      %mul3A_389 = arith.muli %scan3A_386, %mul3A_388 : i32
      %add3A_390 = arith.constant 0 : i32
      %add3A_391 = arith.addi %add3A_390, %mul3A_389 : i32
      %get3A = arith.index_cast %add3A_391 : i32 to index
      %get3A_392 = tpu.vector_load %arg4[%get3A] {strides = array<i32>} : memref<4096xi32, #tpu.memory_space<vmem>>, vector<16xi32>,
      %get3A_393 = vector.shape_cast %get3A_392 : vector<16xi32> to vector<16xi32>
      %gt3A = arith.constant 0 : i32
      %gt3A_394 = vector.broadcast %gt3A : i32 to vector<16xi32>
      %gt3A_395 = arith.cmpi sgt, %get3A_393, %gt3A_394 : vector<16xi32>
      %select_n3A = arith.select %gt3A_395, %broadcast_in_dim3A_5, %broadcast_in_dim3A_3 : vector<16xi1>, vector<16xf32>
      %add3A_396 = arith.addf %scan3A_387, %select_n3A : vector<16xf32>
      scf.yield %add3A_396 : vector<16xf32>
    }
    %scan3A_115 = arith.constant 64 : i32
    %swap3A_116 = arith.constant 128 : index
    %swap3A_117 = tpu.vector_load %arg6[%swap3A_116] {strides = array<i32>} : memref<512xf32, #tpu.memory_space<vmem>>, vector<16xf32>,
    %swap3A_118 = vector.shape_cast %swap3A_117 : vector<16xf32> to vector<16xf32>
    %swap3A_119 = vector.shape_cast %scan3A_114 : vector<16xf32> to vector<16xf32>
    tpu.vector_store %arg6[%swap3A_116], %swap3A_119 {strides = array<i32>} : memref<512xf32, #tpu.memory_space<vmem>>, vector<16xf32>,
    %scan3A_120 = arith.constant 0 : i32
    %scan3A_121 = arith.constant 64 : i32
    %scan3A_122 = arith.addi %scan3A_120, %scan3A_121 : i32
    %scan3A_123 = arith.constant 1 : i32
    %scan3A_124 = scf.for %scan3A_386 = %scan3A_120 to %scan3A_122 step %scan3A_123 iter_args(%scan3A_387 = %broadcast_in_dim3A_3) -> (vector<16xf32>)  : i32 {
      %mul3A_388 = arith.constant 16 : i32
      %mul3A_389 = arith.muli %scan3A_386, %mul3A_388 : i32
      %add3A_390 = arith.constant 1024 : i32
      %add3A_391 = arith.addi %add3A_390, %mul3A_389 : i32
      %get3A = arith.index_cast %add3A_391 : i32 to index
      %get3A_392 = tpu.vector_load %arg4[%get3A] {strides = array<i32>} : memref<4096xi32, #tpu.memory_space<vmem>>, vector<16xi32>,
      %get3A_393 = vector.shape_cast %get3A_392 : vector<16xi32> to vector<16xi32>
      %gt3A = arith.constant 0 : i32
      %gt3A_394 = vector.broadcast %gt3A : i32 to vector<16xi32>
      %gt3A_395 = arith.cmpi sgt, %get3A_393, %gt3A_394 : vector<16xi32>
      %select_n3A = arith.select %gt3A_395, %broadcast_in_dim3A_5, %broadcast_in_dim3A_3 : vector<16xi1>, vector<16xf32>
      %add3A_396 = arith.addf %scan3A_387, %select_n3A : vector<16xf32>
      scf.yield %add3A_396 : vector<16xf32>
    }
    %scan3A_125 = arith.constant 64 : i32
    %swap3A_126 = arith.constant 144 : index
    %swap3A_127 = tpu.vector_load %arg6[%swap3A_126] {strides = array<i32>} : memref<512xf32, #tpu.memory_space<vmem>>, vector<16xf32>,
    %swap3A_128 = vector.shape_cast %swap3A_127 : vector<16xf32> to vector<16xf32>
    %swap3A_129 = vector.shape_cast %scan3A_124 : vector<16xf32> to vector<16xf32>
    tpu.vector_store %arg6[%swap3A_126], %swap3A_129 {strides = array<i32>} : memref<512xf32, #tpu.memory_space<vmem>>, vector<16xf32>,
    %scan3A_130 = arith.constant 0 : i32
    %scan3A_131 = arith.constant 64 : i32
    %scan3A_132 = arith.addi %scan3A_130, %scan3A_131 : i32
    %scan3A_133 = arith.constant 1 : i32
    %scan3A_134 = scf.for %scan3A_386 = %scan3A_130 to %scan3A_132 step %scan3A_133 iter_args(%scan3A_387 = %broadcast_in_dim3A_3) -> (vector<16xf32>)  : i32 {
      %mul3A_388 = arith.constant 16 : i32
      %mul3A_389 = arith.muli %scan3A_386, %mul3A_388 : i32
      %add3A_390 = arith.constant 2048 : i32
      %add3A_391 = arith.addi %add3A_390, %mul3A_389 : i32
      %get3A = arith.index_cast %add3A_391 : i32 to index
      %get3A_392 = tpu.vector_load %arg4[%get3A] {strides = array<i32>} : memref<4096xi32, #tpu.memory_space<vmem>>, vector<16xi32>,
      %get3A_393 = vector.shape_cast %get3A_392 : vector<16xi32> to vector<16xi32>
      %gt3A = arith.constant 0 : i32
      %gt3A_394 = vector.broadcast %gt3A : i32 to vector<16xi32>
      %gt3A_395 = arith.cmpi sgt, %get3A_393, %gt3A_394 : vector<16xi32>
      %select_n3A = arith.select %gt3A_395, %broadcast_in_dim3A_5, %broadcast_in_dim3A_3 : vector<16xi1>, vector<16xf32>
      %add3A_396 = arith.addf %scan3A_387, %select_n3A : vector<16xf32>
      scf.yield %add3A_396 : vector<16xf32>
    }
    %scan3A_135 = arith.constant 64 : i32
    %swap3A_136 = arith.constant 160 : index
    %swap3A_137 = tpu.vector_load %arg6[%swap3A_136] {strides = array<i32>} : memref<512xf32, #tpu.memory_space<vmem>>, vector<16xf32>,
    %swap3A_138 = vector.shape_cast %swap3A_137 : vector<16xf32> to vector<16xf32>
    %swap3A_139 = vector.shape_cast %scan3A_134 : vector<16xf32> to vector<16xf32>
    tpu.vector_store %arg6[%swap3A_136], %swap3A_139 {strides = array<i32>} : memref<512xf32, #tpu.memory_space<vmem>>, vector<16xf32>,
    %scan3A_140 = arith.constant 0 : i32
    %scan3A_141 = arith.constant 64 : i32
    %scan3A_142 = arith.addi %scan3A_140, %scan3A_141 : i32
    %scan3A_143 = arith.constant 1 : i32
    %scan3A_144 = scf.for %scan3A_386 = %scan3A_140 to %scan3A_142 step %scan3A_143 iter_args(%scan3A_387 = %broadcast_in_dim3A_3) -> (vector<16xf32>)  : i32 {
      %mul3A_388 = arith.constant 16 : i32
      %mul3A_389 = arith.muli %scan3A_386, %mul3A_388 : i32
      %add3A_390 = arith.constant 3072 : i32
      %add3A_391 = arith.addi %add3A_390, %mul3A_389 : i32
      %get3A = arith.index_cast %add3A_391 : i32 to index
      %get3A_392 = tpu.vector_load %arg4[%get3A] {strides = array<i32>} : memref<4096xi32, #tpu.memory_space<vmem>>, vector<16xi32>,
      %get3A_393 = vector.shape_cast %get3A_392 : vector<16xi32> to vector<16xi32>
      %gt3A = arith.constant 0 : i32
      %gt3A_394 = vector.broadcast %gt3A : i32 to vector<16xi32>
      %gt3A_395 = arith.cmpi sgt, %get3A_393, %gt3A_394 : vector<16xi32>
      %select_n3A = arith.select %gt3A_395, %broadcast_in_dim3A_5, %broadcast_in_dim3A_3 : vector<16xi1>, vector<16xf32>
      %add3A_396 = arith.addf %scan3A_387, %select_n3A : vector<16xf32>
      scf.yield %add3A_396 : vector<16xf32>
    }
    %scan3A_145 = arith.constant 64 : i32
    %swap3A_146 = arith.constant 176 : index
    %swap3A_147 = tpu.vector_load %arg6[%swap3A_146] {strides = array<i32>} : memref<512xf32, #tpu.memory_space<vmem>>, vector<16xf32>,
    %swap3A_148 = vector.shape_cast %swap3A_147 : vector<16xf32> to vector<16xf32>
    %swap3A_149 = vector.shape_cast %scan3A_144 : vector<16xf32> to vector<16xf32>
    tpu.vector_store %arg6[%swap3A_146], %swap3A_149 {strides = array<i32>} : memref<512xf32, #tpu.memory_space<vmem>>, vector<16xf32>,
    %dma_wait3A_150 = tpu.memref_slice %arg2[%mul3A_107] : memref<1048576xi32, #tpu.memory_space<hbm>> -> memref<4096xi32, #tpu.memory_space<hbm>>
    %dma_wait3A_151 = tpu.memref_slice %arg2[%mul3A_107] : memref<1048576xi32, #tpu.memory_space<hbm>> -> memref<4096xi32, #tpu.memory_space<hbm>>
    tpu.wait_dma2 semaphore(%arg8 : memref<!tpu.dma_semaphore, #tpu.memory_space<semaphore_mem>>) src(%dma_wait3A_151 : memref<4096xi32, #tpu.memory_space<hbm>>) dst(%arg5 : memref<4096xi32, #tpu.memory_space<vmem>>)
    %add3A_152 = arith.constant 16 : i32
    %add3A_153 = arith.addi %mul3A_2, %add3A_152 : i32
    %mul3A_154 = arith.constant 1024 : i32
    %mul3A_155 = arith.muli %add3A_153, %mul3A_154 : i32
    %dma_start3A_156 = tpu.memref_slice %arg2[%mul3A_155] : memref<1048576xi32, #tpu.memory_space<hbm>> -> memref<4096xi32, #tpu.memory_space<hbm>>
    %dma_start3A_157 = tpu.memref_slice %arg2[%mul3A_155] : memref<1048576xi32, #tpu.memory_space<hbm>> -> memref<4096xi32, #tpu.memory_space<hbm>>
    tpu.enqueue_dma source(%dma_start3A_157 : memref<4096xi32, #tpu.memory_space<hbm>>) target(%arg4 : memref<4096xi32, #tpu.memory_space<vmem>>) target_semaphore(%arg7 : memref<!tpu.dma_semaphore, #tpu.memory_space<semaphore_mem>>)
    %scan3A_158 = arith.constant 0 : i32
    %scan3A_159 = arith.constant 64 : i32
    %scan3A_160 = arith.addi %scan3A_158, %scan3A_159 : i32
    %scan3A_161 = arith.constant 1 : i32
    %scan3A_162 = scf.for %scan3A_386 = %scan3A_158 to %scan3A_160 step %scan3A_161 iter_args(%scan3A_387 = %broadcast_in_dim3A_3) -> (vector<16xf32>)  : i32 {
      %mul3A_388 = arith.constant 16 : i32
      %mul3A_389 = arith.muli %scan3A_386, %mul3A_388 : i32
      %add3A_390 = arith.constant 0 : i32
      %add3A_391 = arith.addi %add3A_390, %mul3A_389 : i32
      %get3A = arith.index_cast %add3A_391 : i32 to index
      %get3A_392 = tpu.vector_load %arg5[%get3A] {strides = array<i32>} : memref<4096xi32, #tpu.memory_space<vmem>>, vector<16xi32>,
      %get3A_393 = vector.shape_cast %get3A_392 : vector<16xi32> to vector<16xi32>
      %gt3A = arith.constant 0 : i32
      %gt3A_394 = vector.broadcast %gt3A : i32 to vector<16xi32>
      %gt3A_395 = arith.cmpi sgt, %get3A_393, %gt3A_394 : vector<16xi32>
      %select_n3A = arith.select %gt3A_395, %broadcast_in_dim3A_5, %broadcast_in_dim3A_3 : vector<16xi1>, vector<16xf32>
      %add3A_396 = arith.addf %scan3A_387, %select_n3A : vector<16xf32>
      scf.yield %add3A_396 : vector<16xf32>
    }
    %scan3A_163 = arith.constant 64 : i32
    %swap3A_164 = arith.constant 192 : index
    %swap3A_165 = tpu.vector_load %arg6[%swap3A_164] {strides = array<i32>} : memref<512xf32, #tpu.memory_space<vmem>>, vector<16xf32>,
    %swap3A_166 = vector.shape_cast %swap3A_165 : vector<16xf32> to vector<16xf32>
    %swap3A_167 = vector.shape_cast %scan3A_162 : vector<16xf32> to vector<16xf32>
    tpu.vector_store %arg6[%swap3A_164], %swap3A_167 {strides = array<i32>} : memref<512xf32, #tpu.memory_space<vmem>>, vector<16xf32>,
    %scan3A_168 = arith.constant 0 : i32
    %scan3A_169 = arith.constant 64 : i32
    %scan3A_170 = arith.addi %scan3A_168, %scan3A_169 : i32
    %scan3A_171 = arith.constant 1 : i32
    %scan3A_172 = scf.for %scan3A_386 = %scan3A_168 to %scan3A_170 step %scan3A_171 iter_args(%scan3A_387 = %broadcast_in_dim3A_3) -> (vector<16xf32>)  : i32 {
      %mul3A_388 = arith.constant 16 : i32
      %mul3A_389 = arith.muli %scan3A_386, %mul3A_388 : i32
      %add3A_390 = arith.constant 1024 : i32
      %add3A_391 = arith.addi %add3A_390, %mul3A_389 : i32
      %get3A = arith.index_cast %add3A_391 : i32 to index
      %get3A_392 = tpu.vector_load %arg5[%get3A] {strides = array<i32>} : memref<4096xi32, #tpu.memory_space<vmem>>, vector<16xi32>,
      %get3A_393 = vector.shape_cast %get3A_392 : vector<16xi32> to vector<16xi32>
      %gt3A = arith.constant 0 : i32
      %gt3A_394 = vector.broadcast %gt3A : i32 to vector<16xi32>
      %gt3A_395 = arith.cmpi sgt, %get3A_393, %gt3A_394 : vector<16xi32>
      %select_n3A = arith.select %gt3A_395, %broadcast_in_dim3A_5, %broadcast_in_dim3A_3 : vector<16xi1>, vector<16xf32>
      %add3A_396 = arith.addf %scan3A_387, %select_n3A : vector<16xf32>
      scf.yield %add3A_396 : vector<16xf32>
    }
    %scan3A_173 = arith.constant 64 : i32
    %swap3A_174 = arith.constant 208 : index
    %swap3A_175 = tpu.vector_load %arg6[%swap3A_174] {strides = array<i32>} : memref<512xf32, #tpu.memory_space<vmem>>, vector<16xf32>,
    %swap3A_176 = vector.shape_cast %swap3A_175 : vector<16xf32> to vector<16xf32>
    %swap3A_177 = vector.shape_cast %scan3A_172 : vector<16xf32> to vector<16xf32>
    tpu.vector_store %arg6[%swap3A_174], %swap3A_177 {strides = array<i32>} : memref<512xf32, #tpu.memory_space<vmem>>, vector<16xf32>,
    %scan3A_178 = arith.constant 0 : i32
    %scan3A_179 = arith.constant 64 : i32
    %scan3A_180 = arith.addi %scan3A_178, %scan3A_179 : i32
    %scan3A_181 = arith.constant 1 : i32
    %scan3A_182 = scf.for %scan3A_386 = %scan3A_178 to %scan3A_180 step %scan3A_181 iter_args(%scan3A_387 = %broadcast_in_dim3A_3) -> (vector<16xf32>)  : i32 {
      %mul3A_388 = arith.constant 16 : i32
      %mul3A_389 = arith.muli %scan3A_386, %mul3A_388 : i32
      %add3A_390 = arith.constant 2048 : i32
      %add3A_391 = arith.addi %add3A_390, %mul3A_389 : i32
      %get3A = arith.index_cast %add3A_391 : i32 to index
      %get3A_392 = tpu.vector_load %arg5[%get3A] {strides = array<i32>} : memref<4096xi32, #tpu.memory_space<vmem>>, vector<16xi32>,
      %get3A_393 = vector.shape_cast %get3A_392 : vector<16xi32> to vector<16xi32>
      %gt3A = arith.constant 0 : i32
      %gt3A_394 = vector.broadcast %gt3A : i32 to vector<16xi32>
      %gt3A_395 = arith.cmpi sgt, %get3A_393, %gt3A_394 : vector<16xi32>
      %select_n3A = arith.select %gt3A_395, %broadcast_in_dim3A_5, %broadcast_in_dim3A_3 : vector<16xi1>, vector<16xf32>
      %add3A_396 = arith.addf %scan3A_387, %select_n3A : vector<16xf32>
      scf.yield %add3A_396 : vector<16xf32>
    }
    %scan3A_183 = arith.constant 64 : i32
    %swap3A_184 = arith.constant 224 : index
    %swap3A_185 = tpu.vector_load %arg6[%swap3A_184] {strides = array<i32>} : memref<512xf32, #tpu.memory_space<vmem>>, vector<16xf32>,
    %swap3A_186 = vector.shape_cast %swap3A_185 : vector<16xf32> to vector<16xf32>
    %swap3A_187 = vector.shape_cast %scan3A_182 : vector<16xf32> to vector<16xf32>
    tpu.vector_store %arg6[%swap3A_184], %swap3A_187 {strides = array<i32>} : memref<512xf32, #tpu.memory_space<vmem>>, vector<16xf32>,
    %scan3A_188 = arith.constant 0 : i32
    %scan3A_189 = arith.constant 64 : i32
    %scan3A_190 = arith.addi %scan3A_188, %scan3A_189 : i32
    %scan3A_191 = arith.constant 1 : i32
    %scan3A_192 = scf.for %scan3A_386 = %scan3A_188 to %scan3A_190 step %scan3A_191 iter_args(%scan3A_387 = %broadcast_in_dim3A_3) -> (vector<16xf32>)  : i32 {
      %mul3A_388 = arith.constant 16 : i32
      %mul3A_389 = arith.muli %scan3A_386, %mul3A_388 : i32
      %add3A_390 = arith.constant 3072 : i32
      %add3A_391 = arith.addi %add3A_390, %mul3A_389 : i32
      %get3A = arith.index_cast %add3A_391 : i32 to index
      %get3A_392 = tpu.vector_load %arg5[%get3A] {strides = array<i32>} : memref<4096xi32, #tpu.memory_space<vmem>>, vector<16xi32>,
      %get3A_393 = vector.shape_cast %get3A_392 : vector<16xi32> to vector<16xi32>
      %gt3A = arith.constant 0 : i32
      %gt3A_394 = vector.broadcast %gt3A : i32 to vector<16xi32>
      %gt3A_395 = arith.cmpi sgt, %get3A_393, %gt3A_394 : vector<16xi32>
      %select_n3A = arith.select %gt3A_395, %broadcast_in_dim3A_5, %broadcast_in_dim3A_3 : vector<16xi1>, vector<16xf32>
      %add3A_396 = arith.addf %scan3A_387, %select_n3A : vector<16xf32>
      scf.yield %add3A_396 : vector<16xf32>
    }
    %scan3A_193 = arith.constant 64 : i32
    %swap3A_194 = arith.constant 240 : index
    %swap3A_195 = tpu.vector_load %arg6[%swap3A_194] {strides = array<i32>} : memref<512xf32, #tpu.memory_space<vmem>>, vector<16xf32>,
    %swap3A_196 = vector.shape_cast %swap3A_195 : vector<16xf32> to vector<16xf32>
    %swap3A_197 = vector.shape_cast %scan3A_192 : vector<16xf32> to vector<16xf32>
    tpu.vector_store %arg6[%swap3A_194], %swap3A_197 {strides = array<i32>} : memref<512xf32, #tpu.memory_space<vmem>>, vector<16xf32>,
    %dma_wait3A_198 = tpu.memref_slice %arg2[%mul3A_155] : memref<1048576xi32, #tpu.memory_space<hbm>> -> memref<4096xi32, #tpu.memory_space<hbm>>
    %dma_wait3A_199 = tpu.memref_slice %arg2[%mul3A_155] : memref<1048576xi32, #tpu.memory_space<hbm>> -> memref<4096xi32, #tpu.memory_space<hbm>>
    tpu.wait_dma2 semaphore(%arg7 : memref<!tpu.dma_semaphore, #tpu.memory_space<semaphore_mem>>) src(%dma_wait3A_199 : memref<4096xi32, #tpu.memory_space<hbm>>) dst(%arg4 : memref<4096xi32, #tpu.memory_space<vmem>>)
    %add3A_200 = arith.constant 20 : i32
    %add3A_201 = arith.addi %mul3A_2, %add3A_200 : i32
    %mul3A_202 = arith.constant 1024 : i32
    %mul3A_203 = arith.muli %add3A_201, %mul3A_202 : i32
    %dma_start3A_204 = tpu.memref_slice %arg2[%mul3A_203] : memref<1048576xi32, #tpu.memory_space<hbm>> -> memref<4096xi32, #tpu.memory_space<hbm>>
    %dma_start3A_205 = tpu.memref_slice %arg2[%mul3A_203] : memref<1048576xi32, #tpu.memory_space<hbm>> -> memref<4096xi32, #tpu.memory_space<hbm>>
    tpu.enqueue_dma source(%dma_start3A_205 : memref<4096xi32, #tpu.memory_space<hbm>>) target(%arg5 : memref<4096xi32, #tpu.memory_space<vmem>>) target_semaphore(%arg8 : memref<!tpu.dma_semaphore, #tpu.memory_space<semaphore_mem>>)
    %scan3A_206 = arith.constant 0 : i32
    %scan3A_207 = arith.constant 64 : i32
    %scan3A_208 = arith.addi %scan3A_206, %scan3A_207 : i32
    %scan3A_209 = arith.constant 1 : i32
    %scan3A_210 = scf.for %scan3A_386 = %scan3A_206 to %scan3A_208 step %scan3A_209 iter_args(%scan3A_387 = %broadcast_in_dim3A_3) -> (vector<16xf32>)  : i32 {
      %mul3A_388 = arith.constant 16 : i32
      %mul3A_389 = arith.muli %scan3A_386, %mul3A_388 : i32
      %add3A_390 = arith.constant 0 : i32
      %add3A_391 = arith.addi %add3A_390, %mul3A_389 : i32
      %get3A = arith.index_cast %add3A_391 : i32 to index
      %get3A_392 = tpu.vector_load %arg4[%get3A] {strides = array<i32>} : memref<4096xi32, #tpu.memory_space<vmem>>, vector<16xi32>,
      %get3A_393 = vector.shape_cast %get3A_392 : vector<16xi32> to vector<16xi32>
      %gt3A = arith.constant 0 : i32
      %gt3A_394 = vector.broadcast %gt3A : i32 to vector<16xi32>
      %gt3A_395 = arith.cmpi sgt, %get3A_393, %gt3A_394 : vector<16xi32>
      %select_n3A = arith.select %gt3A_395, %broadcast_in_dim3A_5, %broadcast_in_dim3A_3 : vector<16xi1>, vector<16xf32>
      %add3A_396 = arith.addf %scan3A_387, %select_n3A : vector<16xf32>
      scf.yield %add3A_396 : vector<16xf32>
    }
    %scan3A_211 = arith.constant 64 : i32
    %swap3A_212 = arith.constant 256 : index
    %swap3A_213 = tpu.vector_load %arg6[%swap3A_212] {strides = array<i32>} : memref<512xf32, #tpu.memory_space<vmem>>, vector<16xf32>,
    %swap3A_214 = vector.shape_cast %swap3A_213 : vector<16xf32> to vector<16xf32>
    %swap3A_215 = vector.shape_cast %scan3A_210 : vector<16xf32> to vector<16xf32>
    tpu.vector_store %arg6[%swap3A_212], %swap3A_215 {strides = array<i32>} : memref<512xf32, #tpu.memory_space<vmem>>, vector<16xf32>,
    %scan3A_216 = arith.constant 0 : i32
    %scan3A_217 = arith.constant 64 : i32
    %scan3A_218 = arith.addi %scan3A_216, %scan3A_217 : i32
    %scan3A_219 = arith.constant 1 : i32
    %scan3A_220 = scf.for %scan3A_386 = %scan3A_216 to %scan3A_218 step %scan3A_219 iter_args(%scan3A_387 = %broadcast_in_dim3A_3) -> (vector<16xf32>)  : i32 {
      %mul3A_388 = arith.constant 16 : i32
      %mul3A_389 = arith.muli %scan3A_386, %mul3A_388 : i32
      %add3A_390 = arith.constant 1024 : i32
      %add3A_391 = arith.addi %add3A_390, %mul3A_389 : i32
      %get3A = arith.index_cast %add3A_391 : i32 to index
      %get3A_392 = tpu.vector_load %arg4[%get3A] {strides = array<i32>} : memref<4096xi32, #tpu.memory_space<vmem>>, vector<16xi32>,
      %get3A_393 = vector.shape_cast %get3A_392 : vector<16xi32> to vector<16xi32>
      %gt3A = arith.constant 0 : i32
      %gt3A_394 = vector.broadcast %gt3A : i32 to vector<16xi32>
      %gt3A_395 = arith.cmpi sgt, %get3A_393, %gt3A_394 : vector<16xi32>
      %select_n3A = arith.select %gt3A_395, %broadcast_in_dim3A_5, %broadcast_in_dim3A_3 : vector<16xi1>, vector<16xf32>
      %add3A_396 = arith.addf %scan3A_387, %select_n3A : vector<16xf32>
      scf.yield %add3A_396 : vector<16xf32>
    }
    %scan3A_221 = arith.constant 64 : i32
    %swap3A_222 = arith.constant 272 : index
    %swap3A_223 = tpu.vector_load %arg6[%swap3A_222] {strides = array<i32>} : memref<512xf32, #tpu.memory_space<vmem>>, vector<16xf32>,
    %swap3A_224 = vector.shape_cast %swap3A_223 : vector<16xf32> to vector<16xf32>
    %swap3A_225 = vector.shape_cast %scan3A_220 : vector<16xf32> to vector<16xf32>
    tpu.vector_store %arg6[%swap3A_222], %swap3A_225 {strides = array<i32>} : memref<512xf32, #tpu.memory_space<vmem>>, vector<16xf32>,
    %scan3A_226 = arith.constant 0 : i32
    %scan3A_227 = arith.constant 64 : i32
    %scan3A_228 = arith.addi %scan3A_226, %scan3A_227 : i32
    %scan3A_229 = arith.constant 1 : i32
    %scan3A_230 = scf.for %scan3A_386 = %scan3A_226 to %scan3A_228 step %scan3A_229 iter_args(%scan3A_387 = %broadcast_in_dim3A_3) -> (vector<16xf32>)  : i32 {
      %mul3A_388 = arith.constant 16 : i32
      %mul3A_389 = arith.muli %scan3A_386, %mul3A_388 : i32
      %add3A_390 = arith.constant 2048 : i32
      %add3A_391 = arith.addi %add3A_390, %mul3A_389 : i32
      %get3A = arith.index_cast %add3A_391 : i32 to index
      %get3A_392 = tpu.vector_load %arg4[%get3A] {strides = array<i32>} : memref<4096xi32, #tpu.memory_space<vmem>>, vector<16xi32>,
      %get3A_393 = vector.shape_cast %get3A_392 : vector<16xi32> to vector<16xi32>
      %gt3A = arith.constant 0 : i32
      %gt3A_394 = vector.broadcast %gt3A : i32 to vector<16xi32>
      %gt3A_395 = arith.cmpi sgt, %get3A_393, %gt3A_394 : vector<16xi32>
      %select_n3A = arith.select %gt3A_395, %broadcast_in_dim3A_5, %broadcast_in_dim3A_3 : vector<16xi1>, vector<16xf32>
      %add3A_396 = arith.addf %scan3A_387, %select_n3A : vector<16xf32>
      scf.yield %add3A_396 : vector<16xf32>
    }
    %scan3A_231 = arith.constant 64 : i32
    %swap3A_232 = arith.constant 288 : index
    %swap3A_233 = tpu.vector_load %arg6[%swap3A_232] {strides = array<i32>} : memref<512xf32, #tpu.memory_space<vmem>>, vector<16xf32>,
    %swap3A_234 = vector.shape_cast %swap3A_233 : vector<16xf32> to vector<16xf32>
    %swap3A_235 = vector.shape_cast %scan3A_230 : vector<16xf32> to vector<16xf32>
    tpu.vector_store %arg6[%swap3A_232], %swap3A_235 {strides = array<i32>} : memref<512xf32, #tpu.memory_space<vmem>>, vector<16xf32>,
    %scan3A_236 = arith.constant 0 : i32
    %scan3A_237 = arith.constant 64 : i32
    %scan3A_238 = arith.addi %scan3A_236, %scan3A_237 : i32
    %scan3A_239 = arith.constant 1 : i32
    %scan3A_240 = scf.for %scan3A_386 = %scan3A_236 to %scan3A_238 step %scan3A_239 iter_args(%scan3A_387 = %broadcast_in_dim3A_3) -> (vector<16xf32>)  : i32 {
      %mul3A_388 = arith.constant 16 : i32
      %mul3A_389 = arith.muli %scan3A_386, %mul3A_388 : i32
      %add3A_390 = arith.constant 3072 : i32
      %add3A_391 = arith.addi %add3A_390, %mul3A_389 : i32
      %get3A = arith.index_cast %add3A_391 : i32 to index
      %get3A_392 = tpu.vector_load %arg4[%get3A] {strides = array<i32>} : memref<4096xi32, #tpu.memory_space<vmem>>, vector<16xi32>,
      %get3A_393 = vector.shape_cast %get3A_392 : vector<16xi32> to vector<16xi32>
      %gt3A = arith.constant 0 : i32
      %gt3A_394 = vector.broadcast %gt3A : i32 to vector<16xi32>
      %gt3A_395 = arith.cmpi sgt, %get3A_393, %gt3A_394 : vector<16xi32>
      %select_n3A = arith.select %gt3A_395, %broadcast_in_dim3A_5, %broadcast_in_dim3A_3 : vector<16xi1>, vector<16xf32>
      %add3A_396 = arith.addf %scan3A_387, %select_n3A : vector<16xf32>
      scf.yield %add3A_396 : vector<16xf32>
    }
    %scan3A_241 = arith.constant 64 : i32
    %swap3A_242 = arith.constant 304 : index
    %swap3A_243 = tpu.vector_load %arg6[%swap3A_242] {strides = array<i32>} : memref<512xf32, #tpu.memory_space<vmem>>, vector<16xf32>,
    %swap3A_244 = vector.shape_cast %swap3A_243 : vector<16xf32> to vector<16xf32>
    %swap3A_245 = vector.shape_cast %scan3A_240 : vector<16xf32> to vector<16xf32>
    tpu.vector_store %arg6[%swap3A_242], %swap3A_245 {strides = array<i32>} : memref<512xf32, #tpu.memory_space<vmem>>, vector<16xf32>,
    %dma_wait3A_246 = tpu.memref_slice %arg2[%mul3A_203] : memref<1048576xi32, #tpu.memory_space<hbm>> -> memref<4096xi32, #tpu.memory_space<hbm>>
    %dma_wait3A_247 = tpu.memref_slice %arg2[%mul3A_203] : memref<1048576xi32, #tpu.memory_space<hbm>> -> memref<4096xi32, #tpu.memory_space<hbm>>
    tpu.wait_dma2 semaphore(%arg8 : memref<!tpu.dma_semaphore, #tpu.memory_space<semaphore_mem>>) src(%dma_wait3A_247 : memref<4096xi32, #tpu.memory_space<hbm>>) dst(%arg5 : memref<4096xi32, #tpu.memory_space<vmem>>)
    %add3A_248 = arith.constant 24 : i32
    %add3A_249 = arith.addi %mul3A_2, %add3A_248 : i32
    %mul3A_250 = arith.constant 1024 : i32
    %mul3A_251 = arith.muli %add3A_249, %mul3A_250 : i32
    %dma_start3A_252 = tpu.memref_slice %arg2[%mul3A_251] : memref<1048576xi32, #tpu.memory_space<hbm>> -> memref<4096xi32, #tpu.memory_space<hbm>>
    %dma_start3A_253 = tpu.memref_slice %arg2[%mul3A_251] : memref<1048576xi32, #tpu.memory_space<hbm>> -> memref<4096xi32, #tpu.memory_space<hbm>>
    tpu.enqueue_dma source(%dma_start3A_253 : memref<4096xi32, #tpu.memory_space<hbm>>) target(%arg4 : memref<4096xi32, #tpu.memory_space<vmem>>) target_semaphore(%arg7 : memref<!tpu.dma_semaphore, #tpu.memory_space<semaphore_mem>>)
    %scan3A_254 = arith.constant 0 : i32
    %scan3A_255 = arith.constant 64 : i32
    %scan3A_256 = arith.addi %scan3A_254, %scan3A_255 : i32
    %scan3A_257 = arith.constant 1 : i32
    %scan3A_258 = scf.for %scan3A_386 = %scan3A_254 to %scan3A_256 step %scan3A_257 iter_args(%scan3A_387 = %broadcast_in_dim3A_3) -> (vector<16xf32>)  : i32 {
      %mul3A_388 = arith.constant 16 : i32
      %mul3A_389 = arith.muli %scan3A_386, %mul3A_388 : i32
      %add3A_390 = arith.constant 0 : i32
      %add3A_391 = arith.addi %add3A_390, %mul3A_389 : i32
      %get3A = arith.index_cast %add3A_391 : i32 to index
      %get3A_392 = tpu.vector_load %arg5[%get3A] {strides = array<i32>} : memref<4096xi32, #tpu.memory_space<vmem>>, vector<16xi32>,
      %get3A_393 = vector.shape_cast %get3A_392 : vector<16xi32> to vector<16xi32>
      %gt3A = arith.constant 0 : i32
      %gt3A_394 = vector.broadcast %gt3A : i32 to vector<16xi32>
      %gt3A_395 = arith.cmpi sgt, %get3A_393, %gt3A_394 : vector<16xi32>
      %select_n3A = arith.select %gt3A_395, %broadcast_in_dim3A_5, %broadcast_in_dim3A_3 : vector<16xi1>, vector<16xf32>
      %add3A_396 = arith.addf %scan3A_387, %select_n3A : vector<16xf32>
      scf.yield %add3A_396 : vector<16xf32>
    }
    %scan3A_259 = arith.constant 64 : i32
    %swap3A_260 = arith.constant 320 : index
    %swap3A_261 = tpu.vector_load %arg6[%swap3A_260] {strides = array<i32>} : memref<512xf32, #tpu.memory_space<vmem>>, vector<16xf32>,
    %swap3A_262 = vector.shape_cast %swap3A_261 : vector<16xf32> to vector<16xf32>
    %swap3A_263 = vector.shape_cast %scan3A_258 : vector<16xf32> to vector<16xf32>
    tpu.vector_store %arg6[%swap3A_260], %swap3A_263 {strides = array<i32>} : memref<512xf32, #tpu.memory_space<vmem>>, vector<16xf32>,
    %scan3A_264 = arith.constant 0 : i32
    %scan3A_265 = arith.constant 64 : i32
    %scan3A_266 = arith.addi %scan3A_264, %scan3A_265 : i32
    %scan3A_267 = arith.constant 1 : i32
    %scan3A_268 = scf.for %scan3A_386 = %scan3A_264 to %scan3A_266 step %scan3A_267 iter_args(%scan3A_387 = %broadcast_in_dim3A_3) -> (vector<16xf32>)  : i32 {
      %mul3A_388 = arith.constant 16 : i32
      %mul3A_389 = arith.muli %scan3A_386, %mul3A_388 : i32
      %add3A_390 = arith.constant 1024 : i32
      %add3A_391 = arith.addi %add3A_390, %mul3A_389 : i32
      %get3A = arith.index_cast %add3A_391 : i32 to index
      %get3A_392 = tpu.vector_load %arg5[%get3A] {strides = array<i32>} : memref<4096xi32, #tpu.memory_space<vmem>>, vector<16xi32>,
      %get3A_393 = vector.shape_cast %get3A_392 : vector<16xi32> to vector<16xi32>
      %gt3A = arith.constant 0 : i32
      %gt3A_394 = vector.broadcast %gt3A : i32 to vector<16xi32>
      %gt3A_395 = arith.cmpi sgt, %get3A_393, %gt3A_394 : vector<16xi32>
      %select_n3A = arith.select %gt3A_395, %broadcast_in_dim3A_5, %broadcast_in_dim3A_3 : vector<16xi1>, vector<16xf32>
      %add3A_396 = arith.addf %scan3A_387, %select_n3A : vector<16xf32>
      scf.yield %add3A_396 : vector<16xf32>
    }
    %scan3A_269 = arith.constant 64 : i32
    %swap3A_270 = arith.constant 336 : index
    %swap3A_271 = tpu.vector_load %arg6[%swap3A_270] {strides = array<i32>} : memref<512xf32, #tpu.memory_space<vmem>>, vector<16xf32>,
    %swap3A_272 = vector.shape_cast %swap3A_271 : vector<16xf32> to vector<16xf32>
    %swap3A_273 = vector.shape_cast %scan3A_268 : vector<16xf32> to vector<16xf32>
    tpu.vector_store %arg6[%swap3A_270], %swap3A_273 {strides = array<i32>} : memref<512xf32, #tpu.memory_space<vmem>>, vector<16xf32>,
    %scan3A_274 = arith.constant 0 : i32
    %scan3A_275 = arith.constant 64 : i32
    %scan3A_276 = arith.addi %scan3A_274, %scan3A_275 : i32
    %scan3A_277 = arith.constant 1 : i32
    %scan3A_278 = scf.for %scan3A_386 = %scan3A_274 to %scan3A_276 step %scan3A_277 iter_args(%scan3A_387 = %broadcast_in_dim3A_3) -> (vector<16xf32>)  : i32 {
      %mul3A_388 = arith.constant 16 : i32
      %mul3A_389 = arith.muli %scan3A_386, %mul3A_388 : i32
      %add3A_390 = arith.constant 2048 : i32
      %add3A_391 = arith.addi %add3A_390, %mul3A_389 : i32
      %get3A = arith.index_cast %add3A_391 : i32 to index
      %get3A_392 = tpu.vector_load %arg5[%get3A] {strides = array<i32>} : memref<4096xi32, #tpu.memory_space<vmem>>, vector<16xi32>,
      %get3A_393 = vector.shape_cast %get3A_392 : vector<16xi32> to vector<16xi32>
      %gt3A = arith.constant 0 : i32
      %gt3A_394 = vector.broadcast %gt3A : i32 to vector<16xi32>
      %gt3A_395 = arith.cmpi sgt, %get3A_393, %gt3A_394 : vector<16xi32>
      %select_n3A = arith.select %gt3A_395, %broadcast_in_dim3A_5, %broadcast_in_dim3A_3 : vector<16xi1>, vector<16xf32>
      %add3A_396 = arith.addf %scan3A_387, %select_n3A : vector<16xf32>
      scf.yield %add3A_396 : vector<16xf32>
    }
    %scan3A_279 = arith.constant 64 : i32
    %swap3A_280 = arith.constant 352 : index
    %swap3A_281 = tpu.vector_load %arg6[%swap3A_280] {strides = array<i32>} : memref<512xf32, #tpu.memory_space<vmem>>, vector<16xf32>,
    %swap3A_282 = vector.shape_cast %swap3A_281 : vector<16xf32> to vector<16xf32>
    %swap3A_283 = vector.shape_cast %scan3A_278 : vector<16xf32> to vector<16xf32>
    tpu.vector_store %arg6[%swap3A_280], %swap3A_283 {strides = array<i32>} : memref<512xf32, #tpu.memory_space<vmem>>, vector<16xf32>,
    %scan3A_284 = arith.constant 0 : i32
    %scan3A_285 = arith.constant 64 : i32
    %scan3A_286 = arith.addi %scan3A_284, %scan3A_285 : i32
    %scan3A_287 = arith.constant 1 : i32
    %scan3A_288 = scf.for %scan3A_386 = %scan3A_284 to %scan3A_286 step %scan3A_287 iter_args(%scan3A_387 = %broadcast_in_dim3A_3) -> (vector<16xf32>)  : i32 {
      %mul3A_388 = arith.constant 16 : i32
      %mul3A_389 = arith.muli %scan3A_386, %mul3A_388 : i32
      %add3A_390 = arith.constant 3072 : i32
      %add3A_391 = arith.addi %add3A_390, %mul3A_389 : i32
      %get3A = arith.index_cast %add3A_391 : i32 to index
      %get3A_392 = tpu.vector_load %arg5[%get3A] {strides = array<i32>} : memref<4096xi32, #tpu.memory_space<vmem>>, vector<16xi32>,
      %get3A_393 = vector.shape_cast %get3A_392 : vector<16xi32> to vector<16xi32>
      %gt3A = arith.constant 0 : i32
      %gt3A_394 = vector.broadcast %gt3A : i32 to vector<16xi32>
      %gt3A_395 = arith.cmpi sgt, %get3A_393, %gt3A_394 : vector<16xi32>
      %select_n3A = arith.select %gt3A_395, %broadcast_in_dim3A_5, %broadcast_in_dim3A_3 : vector<16xi1>, vector<16xf32>
      %add3A_396 = arith.addf %scan3A_387, %select_n3A : vector<16xf32>
      scf.yield %add3A_396 : vector<16xf32>
    }
    %scan3A_289 = arith.constant 64 : i32
    %swap3A_290 = arith.constant 368 : index
    %swap3A_291 = tpu.vector_load %arg6[%swap3A_290] {strides = array<i32>} : memref<512xf32, #tpu.memory_space<vmem>>, vector<16xf32>,
    %swap3A_292 = vector.shape_cast %swap3A_291 : vector<16xf32> to vector<16xf32>
    %swap3A_293 = vector.shape_cast %scan3A_288 : vector<16xf32> to vector<16xf32>
    tpu.vector_store %arg6[%swap3A_290], %swap3A_293 {strides = array<i32>} : memref<512xf32, #tpu.memory_space<vmem>>, vector<16xf32>,
    %dma_wait3A_294 = tpu.memref_slice %arg2[%mul3A_251] : memref<1048576xi32, #tpu.memory_space<hbm>> -> memref<4096xi32, #tpu.memory_space<hbm>>
    %dma_wait3A_295 = tpu.memref_slice %arg2[%mul3A_251] : memref<1048576xi32, #tpu.memory_space<hbm>> -> memref<4096xi32, #tpu.memory_space<hbm>>
    tpu.wait_dma2 semaphore(%arg7 : memref<!tpu.dma_semaphore, #tpu.memory_space<semaphore_mem>>) src(%dma_wait3A_295 : memref<4096xi32, #tpu.memory_space<hbm>>) dst(%arg4 : memref<4096xi32, #tpu.memory_space<vmem>>)
    %add3A_296 = arith.constant 28 : i32
    %add3A_297 = arith.addi %mul3A_2, %add3A_296 : i32
    %mul3A_298 = arith.constant 1024 : i32
    %mul3A_299 = arith.muli %add3A_297, %mul3A_298 : i32
    %dma_start3A_300 = tpu.memref_slice %arg2[%mul3A_299] : memref<1048576xi32, #tpu.memory_space<hbm>> -> memref<4096xi32, #tpu.memory_space<hbm>>
    %dma_start3A_301 = tpu.memref_slice %arg2[%mul3A_299] : memref<1048576xi32, #tpu.memory_space<hbm>> -> memref<4096xi32, #tpu.memory_space<hbm>>
    tpu.enqueue_dma source(%dma_start3A_301 : memref<4096xi32, #tpu.memory_space<hbm>>) target(%arg5 : memref<4096xi32, #tpu.memory_space<vmem>>) target_semaphore(%arg8 : memref<!tpu.dma_semaphore, #tpu.memory_space<semaphore_mem>>)
    %scan3A_302 = arith.constant 0 : i32
    %scan3A_303 = arith.constant 64 : i32
    %scan3A_304 = arith.addi %scan3A_302, %scan3A_303 : i32
    %scan3A_305 = arith.constant 1 : i32
    %scan3A_306 = scf.for %scan3A_386 = %scan3A_302 to %scan3A_304 step %scan3A_305 iter_args(%scan3A_387 = %broadcast_in_dim3A_3) -> (vector<16xf32>)  : i32 {
      %mul3A_388 = arith.constant 16 : i32
      %mul3A_389 = arith.muli %scan3A_386, %mul3A_388 : i32
      %add3A_390 = arith.constant 0 : i32
      %add3A_391 = arith.addi %add3A_390, %mul3A_389 : i32
      %get3A = arith.index_cast %add3A_391 : i32 to index
      %get3A_392 = tpu.vector_load %arg4[%get3A] {strides = array<i32>} : memref<4096xi32, #tpu.memory_space<vmem>>, vector<16xi32>,
      %get3A_393 = vector.shape_cast %get3A_392 : vector<16xi32> to vector<16xi32>
      %gt3A = arith.constant 0 : i32
      %gt3A_394 = vector.broadcast %gt3A : i32 to vector<16xi32>
      %gt3A_395 = arith.cmpi sgt, %get3A_393, %gt3A_394 : vector<16xi32>
      %select_n3A = arith.select %gt3A_395, %broadcast_in_dim3A_5, %broadcast_in_dim3A_3 : vector<16xi1>, vector<16xf32>
      %add3A_396 = arith.addf %scan3A_387, %select_n3A : vector<16xf32>
      scf.yield %add3A_396 : vector<16xf32>
    }
    %scan3A_307 = arith.constant 64 : i32
    %swap3A_308 = arith.constant 384 : index
    %swap3A_309 = tpu.vector_load %arg6[%swap3A_308] {strides = array<i32>} : memref<512xf32, #tpu.memory_space<vmem>>, vector<16xf32>,
    %swap3A_310 = vector.shape_cast %swap3A_309 : vector<16xf32> to vector<16xf32>
    %swap3A_311 = vector.shape_cast %scan3A_306 : vector<16xf32> to vector<16xf32>
    tpu.vector_store %arg6[%swap3A_308], %swap3A_311 {strides = array<i32>} : memref<512xf32, #tpu.memory_space<vmem>>, vector<16xf32>,
    %scan3A_312 = arith.constant 0 : i32
    %scan3A_313 = arith.constant 64 : i32
    %scan3A_314 = arith.addi %scan3A_312, %scan3A_313 : i32
    %scan3A_315 = arith.constant 1 : i32
    %scan3A_316 = scf.for %scan3A_386 = %scan3A_312 to %scan3A_314 step %scan3A_315 iter_args(%scan3A_387 = %broadcast_in_dim3A_3) -> (vector<16xf32>)  : i32 {
      %mul3A_388 = arith.constant 16 : i32
      %mul3A_389 = arith.muli %scan3A_386, %mul3A_388 : i32
      %add3A_390 = arith.constant 1024 : i32
      %add3A_391 = arith.addi %add3A_390, %mul3A_389 : i32
      %get3A = arith.index_cast %add3A_391 : i32 to index
      %get3A_392 = tpu.vector_load %arg4[%get3A] {strides = array<i32>} : memref<4096xi32, #tpu.memory_space<vmem>>, vector<16xi32>,
      %get3A_393 = vector.shape_cast %get3A_392 : vector<16xi32> to vector<16xi32>
      %gt3A = arith.constant 0 : i32
      %gt3A_394 = vector.broadcast %gt3A : i32 to vector<16xi32>
      %gt3A_395 = arith.cmpi sgt, %get3A_393, %gt3A_394 : vector<16xi32>
      %select_n3A = arith.select %gt3A_395, %broadcast_in_dim3A_5, %broadcast_in_dim3A_3 : vector<16xi1>, vector<16xf32>
      %add3A_396 = arith.addf %scan3A_387, %select_n3A : vector<16xf32>
      scf.yield %add3A_396 : vector<16xf32>
    }
    %scan3A_317 = arith.constant 64 : i32
    %swap3A_318 = arith.constant 400 : index
    %swap3A_319 = tpu.vector_load %arg6[%swap3A_318] {strides = array<i32>} : memref<512xf32, #tpu.memory_space<vmem>>, vector<16xf32>,
    %swap3A_320 = vector.shape_cast %swap3A_319 : vector<16xf32> to vector<16xf32>
    %swap3A_321 = vector.shape_cast %scan3A_316 : vector<16xf32> to vector<16xf32>
    tpu.vector_store %arg6[%swap3A_318], %swap3A_321 {strides = array<i32>} : memref<512xf32, #tpu.memory_space<vmem>>, vector<16xf32>,
    %scan3A_322 = arith.constant 0 : i32
    %scan3A_323 = arith.constant 64 : i32
    %scan3A_324 = arith.addi %scan3A_322, %scan3A_323 : i32
    %scan3A_325 = arith.constant 1 : i32
    %scan3A_326 = scf.for %scan3A_386 = %scan3A_322 to %scan3A_324 step %scan3A_325 iter_args(%scan3A_387 = %broadcast_in_dim3A_3) -> (vector<16xf32>)  : i32 {
      %mul3A_388 = arith.constant 16 : i32
      %mul3A_389 = arith.muli %scan3A_386, %mul3A_388 : i32
      %add3A_390 = arith.constant 2048 : i32
      %add3A_391 = arith.addi %add3A_390, %mul3A_389 : i32
      %get3A = arith.index_cast %add3A_391 : i32 to index
      %get3A_392 = tpu.vector_load %arg4[%get3A] {strides = array<i32>} : memref<4096xi32, #tpu.memory_space<vmem>>, vector<16xi32>,
      %get3A_393 = vector.shape_cast %get3A_392 : vector<16xi32> to vector<16xi32>
      %gt3A = arith.constant 0 : i32
      %gt3A_394 = vector.broadcast %gt3A : i32 to vector<16xi32>
      %gt3A_395 = arith.cmpi sgt, %get3A_393, %gt3A_394 : vector<16xi32>
      %select_n3A = arith.select %gt3A_395, %broadcast_in_dim3A_5, %broadcast_in_dim3A_3 : vector<16xi1>, vector<16xf32>
      %add3A_396 = arith.addf %scan3A_387, %select_n3A : vector<16xf32>
      scf.yield %add3A_396 : vector<16xf32>
    }
    %scan3A_327 = arith.constant 64 : i32
    %swap3A_328 = arith.constant 416 : index
    %swap3A_329 = tpu.vector_load %arg6[%swap3A_328] {strides = array<i32>} : memref<512xf32, #tpu.memory_space<vmem>>, vector<16xf32>,
    %swap3A_330 = vector.shape_cast %swap3A_329 : vector<16xf32> to vector<16xf32>
    %swap3A_331 = vector.shape_cast %scan3A_326 : vector<16xf32> to vector<16xf32>
    tpu.vector_store %arg6[%swap3A_328], %swap3A_331 {strides = array<i32>} : memref<512xf32, #tpu.memory_space<vmem>>, vector<16xf32>,
    %scan3A_332 = arith.constant 0 : i32
    %scan3A_333 = arith.constant 64 : i32
    %scan3A_334 = arith.addi %scan3A_332, %scan3A_333 : i32
    %scan3A_335 = arith.constant 1 : i32
    %scan3A_336 = scf.for %scan3A_386 = %scan3A_332 to %scan3A_334 step %scan3A_335 iter_args(%scan3A_387 = %broadcast_in_dim3A_3) -> (vector<16xf32>)  : i32 {
      %mul3A_388 = arith.constant 16 : i32
      %mul3A_389 = arith.muli %scan3A_386, %mul3A_388 : i32
      %add3A_390 = arith.constant 3072 : i32
      %add3A_391 = arith.addi %add3A_390, %mul3A_389 : i32
      %get3A = arith.index_cast %add3A_391 : i32 to index
      %get3A_392 = tpu.vector_load %arg4[%get3A] {strides = array<i32>} : memref<4096xi32, #tpu.memory_space<vmem>>, vector<16xi32>,
      %get3A_393 = vector.shape_cast %get3A_392 : vector<16xi32> to vector<16xi32>
      %gt3A = arith.constant 0 : i32
      %gt3A_394 = vector.broadcast %gt3A : i32 to vector<16xi32>
      %gt3A_395 = arith.cmpi sgt, %get3A_393, %gt3A_394 : vector<16xi32>
      %select_n3A = arith.select %gt3A_395, %broadcast_in_dim3A_5, %broadcast_in_dim3A_3 : vector<16xi1>, vector<16xf32>
      %add3A_396 = arith.addf %scan3A_387, %select_n3A : vector<16xf32>
      scf.yield %add3A_396 : vector<16xf32>
    }
    %scan3A_337 = arith.constant 64 : i32
    %swap3A_338 = arith.constant 432 : index
    %swap3A_339 = tpu.vector_load %arg6[%swap3A_338] {strides = array<i32>} : memref<512xf32, #tpu.memory_space<vmem>>, vector<16xf32>,
    %swap3A_340 = vector.shape_cast %swap3A_339 : vector<16xf32> to vector<16xf32>
    %swap3A_341 = vector.shape_cast %scan3A_336 : vector<16xf32> to vector<16xf32>
    tpu.vector_store %arg6[%swap3A_338], %swap3A_341 {strides = array<i32>} : memref<512xf32, #tpu.memory_space<vmem>>, vector<16xf32>,
    %dma_wait3A_342 = tpu.memref_slice %arg2[%mul3A_299] : memref<1048576xi32, #tpu.memory_space<hbm>> -> memref<4096xi32, #tpu.memory_space<hbm>>
    %dma_wait3A_343 = tpu.memref_slice %arg2[%mul3A_299] : memref<1048576xi32, #tpu.memory_space<hbm>> -> memref<4096xi32, #tpu.memory_space<hbm>>
    tpu.wait_dma2 semaphore(%arg8 : memref<!tpu.dma_semaphore, #tpu.memory_space<semaphore_mem>>) src(%dma_wait3A_343 : memref<4096xi32, #tpu.memory_space<hbm>>) dst(%arg5 : memref<4096xi32, #tpu.memory_space<vmem>>)
    %scan3A_344 = arith.constant 0 : i32
    %scan3A_345 = arith.constant 64 : i32
    %scan3A_346 = arith.addi %scan3A_344, %scan3A_345 : i32
    %scan3A_347 = arith.constant 1 : i32
    %scan3A_348 = scf.for %scan3A_386 = %scan3A_344 to %scan3A_346 step %scan3A_347 iter_args(%scan3A_387 = %broadcast_in_dim3A_3) -> (vector<16xf32>)  : i32 {
      %mul3A_388 = arith.constant 16 : i32
      %mul3A_389 = arith.muli %scan3A_386, %mul3A_388 : i32
      %add3A_390 = arith.constant 0 : i32
      %add3A_391 = arith.addi %add3A_390, %mul3A_389 : i32
      %get3A = arith.index_cast %add3A_391 : i32 to index
      %get3A_392 = tpu.vector_load %arg5[%get3A] {strides = array<i32>} : memref<4096xi32, #tpu.memory_space<vmem>>, vector<16xi32>,
      %get3A_393 = vector.shape_cast %get3A_392 : vector<16xi32> to vector<16xi32>
      %gt3A = arith.constant 0 : i32
      %gt3A_394 = vector.broadcast %gt3A : i32 to vector<16xi32>
      %gt3A_395 = arith.cmpi sgt, %get3A_393, %gt3A_394 : vector<16xi32>
      %select_n3A = arith.select %gt3A_395, %broadcast_in_dim3A_5, %broadcast_in_dim3A_3 : vector<16xi1>, vector<16xf32>
      %add3A_396 = arith.addf %scan3A_387, %select_n3A : vector<16xf32>
      scf.yield %add3A_396 : vector<16xf32>
    }
    %scan3A_349 = arith.constant 64 : i32
    %swap3A_350 = arith.constant 448 : index
    %swap3A_351 = tpu.vector_load %arg6[%swap3A_350] {strides = array<i32>} : memref<512xf32, #tpu.memory_space<vmem>>, vector<16xf32>,
    %swap3A_352 = vector.shape_cast %swap3A_351 : vector<16xf32> to vector<16xf32>
    %swap3A_353 = vector.shape_cast %scan3A_348 : vector<16xf32> to vector<16xf32>
    tpu.vector_store %arg6[%swap3A_350], %swap3A_353 {strides = array<i32>} : memref<512xf32, #tpu.memory_space<vmem>>, vector<16xf32>,
    %scan3A_354 = arith.constant 0 : i32
    %scan3A_355 = arith.constant 64 : i32
    %scan3A_356 = arith.addi %scan3A_354, %scan3A_355 : i32
    %scan3A_357 = arith.constant 1 : i32
    %scan3A_358 = scf.for %scan3A_386 = %scan3A_354 to %scan3A_356 step %scan3A_357 iter_args(%scan3A_387 = %broadcast_in_dim3A_3) -> (vector<16xf32>)  : i32 {
      %mul3A_388 = arith.constant 16 : i32
      %mul3A_389 = arith.muli %scan3A_386, %mul3A_388 : i32
      %add3A_390 = arith.constant 1024 : i32
      %add3A_391 = arith.addi %add3A_390, %mul3A_389 : i32
      %get3A = arith.index_cast %add3A_391 : i32 to index
      %get3A_392 = tpu.vector_load %arg5[%get3A] {strides = array<i32>} : memref<4096xi32, #tpu.memory_space<vmem>>, vector<16xi32>,
      %get3A_393 = vector.shape_cast %get3A_392 : vector<16xi32> to vector<16xi32>
      %gt3A = arith.constant 0 : i32
      %gt3A_394 = vector.broadcast %gt3A : i32 to vector<16xi32>
      %gt3A_395 = arith.cmpi sgt, %get3A_393, %gt3A_394 : vector<16xi32>
      %select_n3A = arith.select %gt3A_395, %broadcast_in_dim3A_5, %broadcast_in_dim3A_3 : vector<16xi1>, vector<16xf32>
      %add3A_396 = arith.addf %scan3A_387, %select_n3A : vector<16xf32>
      scf.yield %add3A_396 : vector<16xf32>
    }
    %scan3A_359 = arith.constant 64 : i32
    %swap3A_360 = arith.constant 464 : index
    %swap3A_361 = tpu.vector_load %arg6[%swap3A_360] {strides = array<i32>} : memref<512xf32, #tpu.memory_space<vmem>>, vector<16xf32>,
    %swap3A_362 = vector.shape_cast %swap3A_361 : vector<16xf32> to vector<16xf32>
    %swap3A_363 = vector.shape_cast %scan3A_358 : vector<16xf32> to vector<16xf32>
    tpu.vector_store %arg6[%swap3A_360], %swap3A_363 {strides = array<i32>} : memref<512xf32, #tpu.memory_space<vmem>>, vector<16xf32>,
    %scan3A_364 = arith.constant 0 : i32
    %scan3A_365 = arith.constant 64 : i32
    %scan3A_366 = arith.addi %scan3A_364, %scan3A_365 : i32
    %scan3A_367 = arith.constant 1 : i32
    %scan3A_368 = scf.for %scan3A_386 = %scan3A_364 to %scan3A_366 step %scan3A_367 iter_args(%scan3A_387 = %broadcast_in_dim3A_3) -> (vector<16xf32>)  : i32 {
      %mul3A_388 = arith.constant 16 : i32
      %mul3A_389 = arith.muli %scan3A_386, %mul3A_388 : i32
      %add3A_390 = arith.constant 2048 : i32
      %add3A_391 = arith.addi %add3A_390, %mul3A_389 : i32
      %get3A = arith.index_cast %add3A_391 : i32 to index
      %get3A_392 = tpu.vector_load %arg5[%get3A] {strides = array<i32>} : memref<4096xi32, #tpu.memory_space<vmem>>, vector<16xi32>,
      %get3A_393 = vector.shape_cast %get3A_392 : vector<16xi32> to vector<16xi32>
      %gt3A = arith.constant 0 : i32
      %gt3A_394 = vector.broadcast %gt3A : i32 to vector<16xi32>
      %gt3A_395 = arith.cmpi sgt, %get3A_393, %gt3A_394 : vector<16xi32>
      %select_n3A = arith.select %gt3A_395, %broadcast_in_dim3A_5, %broadcast_in_dim3A_3 : vector<16xi1>, vector<16xf32>
      %add3A_396 = arith.addf %scan3A_387, %select_n3A : vector<16xf32>
      scf.yield %add3A_396 : vector<16xf32>
    }
    %scan3A_369 = arith.constant 64 : i32
    %swap3A_370 = arith.constant 480 : index
    %swap3A_371 = tpu.vector_load %arg6[%swap3A_370] {strides = array<i32>} : memref<512xf32, #tpu.memory_space<vmem>>, vector<16xf32>,
    %swap3A_372 = vector.shape_cast %swap3A_371 : vector<16xf32> to vector<16xf32>
    %swap3A_373 = vector.shape_cast %scan3A_368 : vector<16xf32> to vector<16xf32>
    tpu.vector_store %arg6[%swap3A_370], %swap3A_373 {strides = array<i32>} : memref<512xf32, #tpu.memory_space<vmem>>, vector<16xf32>,
    %scan3A_374 = arith.constant 0 : i32
    %scan3A_375 = arith.constant 64 : i32
    %scan3A_376 = arith.addi %scan3A_374, %scan3A_375 : i32
    %scan3A_377 = arith.constant 1 : i32
    %scan3A_378 = scf.for %scan3A_386 = %scan3A_374 to %scan3A_376 step %scan3A_377 iter_args(%scan3A_387 = %broadcast_in_dim3A_3) -> (vector<16xf32>)  : i32 {
      %mul3A_388 = arith.constant 16 : i32
      %mul3A_389 = arith.muli %scan3A_386, %mul3A_388 : i32
      %add3A_390 = arith.constant 3072 : i32
      %add3A_391 = arith.addi %add3A_390, %mul3A_389 : i32
      %get3A = arith.index_cast %add3A_391 : i32 to index
      %get3A_392 = tpu.vector_load %arg5[%get3A] {strides = array<i32>} : memref<4096xi32, #tpu.memory_space<vmem>>, vector<16xi32>,
      %get3A_393 = vector.shape_cast %get3A_392 : vector<16xi32> to vector<16xi32>
      %gt3A = arith.constant 0 : i32
      %gt3A_394 = vector.broadcast %gt3A : i32 to vector<16xi32>
      %gt3A_395 = arith.cmpi sgt, %get3A_393, %gt3A_394 : vector<16xi32>
      %select_n3A = arith.select %gt3A_395, %broadcast_in_dim3A_5, %broadcast_in_dim3A_3 : vector<16xi1>, vector<16xf32>
      %add3A_396 = arith.addf %scan3A_387, %select_n3A : vector<16xf32>
      scf.yield %add3A_396 : vector<16xf32>
    }
    %scan3A_379 = arith.constant 64 : i32
    %swap3A_380 = arith.constant 496 : index
    %swap3A_381 = tpu.vector_load %arg6[%swap3A_380] {strides = array<i32>} : memref<512xf32, #tpu.memory_space<vmem>>, vector<16xf32>,
    %swap3A_382 = vector.shape_cast %swap3A_381 : vector<16xf32> to vector<16xf32>
    %swap3A_383 = vector.shape_cast %scan3A_378 : vector<16xf32> to vector<16xf32>
    tpu.vector_store %arg6[%swap3A_380], %swap3A_383 {strides = array<i32>} : memref<512xf32, #tpu.memory_space<vmem>>, vector<16xf32>,
    %mul3A_384 = arith.constant 16 : i32
    %mul3A_385 = arith.muli %mul3A_2, %mul3A_384 : i32
    "tpu.region"() ({
      %run_scoped3A = tpu.sem_alloc : memref<!tpu.dma_semaphore, #tpu.memory_space<semaphore_mem>>
      %dma_start3A_386 = tpu.memref_slice %arg3[%mul3A_385] : memref<16384xf32, #tpu.memory_space<hbm>> -> memref<512xf32, #tpu.memory_space<hbm>>
      %dma_start3A_387 = tpu.memref_slice %arg3[%mul3A_385] : memref<16384xf32, #tpu.memory_space<hbm>> -> memref<512xf32, #tpu.memory_space<hbm>>
      tpu.enqueue_dma source(%arg6 : memref<512xf32, #tpu.memory_space<vmem>>) target(%dma_start3A_387 : memref<512xf32, #tpu.memory_space<hbm>>) target_semaphore(%run_scoped3A : memref<!tpu.dma_semaphore, #tpu.memory_space<semaphore_mem>>)
      %dma_wait3A_388 = tpu.memref_slice %arg3[%mul3A_385] : memref<16384xf32, #tpu.memory_space<hbm>> -> memref<512xf32, #tpu.memory_space<hbm>>
      %dma_wait3A_389 = tpu.memref_slice %arg3[%mul3A_385] : memref<16384xf32, #tpu.memory_space<hbm>> -> memref<512xf32, #tpu.memory_space<hbm>>
      tpu.wait_dma2 semaphore(%run_scoped3A : memref<!tpu.dma_semaphore, #tpu.memory_space<semaphore_mem>>) src(%arg6 : memref<512xf32, #tpu.memory_space<vmem>>) dst(%dma_wait3A_389 : memref<512xf32, #tpu.memory_space<hbm>>)
      tpu.yield
    }) : () -> ()
    return
  }
}

</mosaic_0001>

<sc_bundles>
// kernel: kernel.3.cloned.1.call-start
scs
__scs_entry_jumppad:
0x0: {  	(pc) =	sbr.rel $0x88, $3  }
0x1: {  	(tag) =	ssettag $0x0;
	lr =	simm.s32 $0x1  }
0x2: {  	[smem:$0x3F9F] =	sst lr;
	_ =	strace $0xD0000000  }
0x3: {  	_ = 	snop  }
0x4: {  	_ = 	snop  }
0x5: {  	_ = 	snop  }
0x6: {  	_ = 	snop  }
0x7: {  	_ = 	snop  }
__scs_overlays_trampoline_lowered:
0x8: {  	[smem:$0x3FAE] =	sst s0  }
0x9: {  	[smem:$0x3FAF] =	sst s1  }
0xa: {  	[smem:$0x3FB0] =	sst s2  }
0xb: {  	[smem:$0x3FB1] =	sst s3  }
0xc: {  	[smem:$0x3FB2] =	sst s4  }
0xd: {  	[smem:$0x3FB3] =	sst s5  }
0xe: {  	[smem:$0x3FB4] =	sst s6  }
0xf: {  	[smem:$0x3FB5] =	sst s7  }
0x10: {  	[smem:$0x3FB6] =	sst s8  }
0x11: {  	[smem:$0x3FB7] =	sst s9;
	s0 =	simm.s32 @!p0 $0x0  }
0x12: {  	s1 =	sld [smem:$0x3F9D];
	s0 =	simm.s32 @p0 $0x1  }
0x13: {  	[smem:$0x3FB8] =	sst s0;
	s0 =	simm.s32 @!p1 $0x0  }
0x14: {  	s2 =	sld [smem:$0x3F9C];
	s0 =	simm.s32 @p1 $0x1  }
0x15: {  	[smem:$0x3FB9] =	sst s0;
	s0 =	simm.s32 @!p2 $0x0  }
0x16: {  	s3 =	sld [smem:$0x3FDB];
	s0 =	simm.s32 @p2 $0x1  }
0x17: {  	s4 =	simm.s32 $0x1BF5;
	[smem:$0x3FBB] =	sst s0  }
0x18: {  	s0 =	sld [smem:$0x3F9E];
	_ =	swait.ge [sflag:s4], $0x0  }
0x19: {  	s7 =	sld [smem:$0x3F9F]  }
0x1a: {  	s8 =	sadd.s32 $0xFFFFE003, lr  }
0x1b: {  	s9 =	sadd.s32 $0xFFFFFEF7, lr;
	s5 =	simm.s32 $0xFFFFFFFF;
	p2 =	slt.u32 s8, $0xFFFFF086  }
0x1c: {  	p1 =	slt.u32 s9, $0xF7A;
	s5 =	simm.s32 @!p2 $0x0  }
0x1d: {  	s5 =	simm.s32 @p1 $0x1;
	p0 =	seq.s32 s7, s2  }
0x1e: {  	s7 =	smul.u32 @!p0 $0xF7A, s2;
	p2 =	seq.s32 @!p0 s5, $0x0  }
0x1f: {  	s9 =	smul.u32 $0xF7A, s1;
	s8 =	simm.s32 @!p0 $0x1BF5;
	p2 =	por !p2, p0  }
0x20: {  	[sflag:s8] =	ssyncset.s32 @!p0 $0xFFFFF086;
	s6 =	sadd.s32 @!p0 s3, s7;
	s7 =	simm.s32 @!p0 $0x108  }
0x21: {  	s3 =	sadd.s32 s3, s9;
	s6 =	sadd.s32 @!p0 $0x88, s6;
	s7 =	simm.s32 @p2 $0x1082  }
0x22: {  	[simem:s7], [sflag:s8] =	dma.local @!p0 [hbm:s6], $0xF7A  }
0x23: {  	s9 =	sor.u32 $0xD0000000, s2;
	s6 =	simm.s32 $0x108;
	_ =	swait.ge @!p0 [sflag:s8], $0x0  }
0x24: {  	s3 =	sadd.s32 $0x88, s3;
	s6 =	simm.s32 @!p1 $0x1082;
	[sflag:s4] =	ssyncset.s32 $0xFFFFF086  }
0x25: {  	[simem:s6], [sflag:s4] =	dma.local [hbm:s3], $0xF7A  }
0x26: {  	[smem:$0x3F9F] =	sst s1;
	(tag) =	ssettag s2;
	_ =	strace s9  }
0x27: {  	s1 =	sld [smem:$0x3FAF]  }
0x28: {  	s2 =	sld [smem:$0x3FB0]  }
0x29: {  	s4 =	sld [smem:$0x3FB2]  }
0x2a: {  	p0 =	seq.s32 s5, $0x0;
	s5 =	sld [smem:$0x3FB3]  }
0x2b: {  	s6 =	sld [smem:$0x3FB4]  }
0x2c: {  	s7 =	sld [smem:$0x3FB5]  }
0x2d: {  	s3 =	simm.s32 $0x108;
	s8 =	sld [smem:$0x3FB6]  }
0x2e: {  	s3 =	simm.s32 @!p0 $0x1082;
	s9 =	sld [smem:$0x3FB7]  }
0x2f: {  	lr =	sadd.s32 s0, s3;
	s0 =	sld [smem:$0x3FAE]  }
0x30: {  	s3 =	sld [smem:$0x3FB1]  }
0x31: {  	[smem:$0x3FBA] =	sst s10  }
0x32: {  	s10 =	sld [smem:$0x3FB8];
	_ =	sdelay $0x3  }
0x33: {  	p0 =	seq.s32 s10, $0x1;
	s10 =	sld [smem:$0x3FBA];
	_ =	sdelay $0x3  }
0x34: {  	[smem:$0x3FBA] =	sst s10  }
0x35: {  	s10 =	sld [smem:$0x3FB9];
	_ =	sdelay $0x3  }
0x36: {  	p1 =	seq.s32 s10, $0x1;
	s10 =	sld [smem:$0x3FBA];
	_ =	sdelay $0x3  }
0x37: {  	[smem:$0x3FBA] =	sst s10  }
0x38: {  	s10 =	sld [smem:$0x3FBB]  }
0x39: {  	_ = 	snop;
	(pc) =	sbr.ind lr, $3  }
0x3a: {  	_ = 	snop  }
0x3b: {  	_ = 	snop  }
0x3c: {  	p2 =	seq.s32 s10, $0x1;
	s10 =	sld [smem:$0x3FBA]  }
0x3d: {  	_ =	shalt  }
0x3e: {  	_ =	shalt  }
0x3f: {  	_ =	shalt  }
0x40: {  	_ =	shalt  }
0x41: {  	_ =	shalt  }
0x42: {  	_ =	shalt  }
0x43: {  	_ =	shalt  }
0x44: {  	_ =	shalt  }
0x45: {  	_ =	shalt  }
0x46: {  	_ =	shalt  }
0x47: {  	_ =	shalt  }
0x48: {  	_ =	shalt  }
0x49: {  	_ =	shalt  }
0x4a: {  	_ =	shalt  }
0x4b: {  	_ =	shalt  }
0x4c: {  	_ =	shalt  }
0x4d: {  	_ =	shalt  }
0x4e: {  	_ =	shalt  }
0x4f: {  	_ =	shalt  }
0x50: {  	_ =	shalt  }
0x51: {  	_ =	shalt  }
0x52: {  	_ =	shalt  }
0x53: {  	_ =	shalt  }
0x54: {  	_ =	shalt  }
0x55: {  	_ =	shalt  }
0x56: {  	_ =	shalt  }
0x57: {  	_ =	shalt  }
0x58: {  	_ =	shalt  }
0x59: {  	_ =	shalt  }
0x5a: {  	_ =	shalt  }
0x5b: {  	_ =	shalt  }
0x5c: {  	_ =	shalt  }
0x5d: {  	_ =	shalt  }
0x5e: {  	_ =	shalt  }
0x5f: {  	_ =	shalt  }
0x60: {  	_ =	shalt  }
0x61: {  	_ =	shalt  }
0x62: {  	_ =	shalt  }
0x63: {  	_ =	shalt  }
0x64: {  	_ =	shalt  }
0x65: {  	_ =	shalt  }
0x66: {  	_ =	shalt  }
0x67: {  	_ =	shalt  }
0x68: {  	_ =	shalt  }
0x69: {  	_ =	shalt  }
0x6a: {  	_ =	shalt  }
0x6b: {  	_ =	shalt  }
0x6c: {  	_ =	shalt  }
0x6d: {  	_ =	shalt  }
0x6e: {  	_ =	shalt  }
0x6f: {  	_ =	shalt  }
0x70: {  	_ =	shalt  }
0x71: {  	_ =	shalt  }
0x72: {  	_ =	shalt  }
0x73: {  	_ =	shalt  }
0x74: {  	_ =	shalt  }
0x75: {  	_ =	shalt  }
0x76: {  	_ =	shalt  }
0x77: {  	_ =	shalt  }
0x78: {  	_ =	shalt  }
0x79: {  	_ =	shalt  }
0x7a: {  	_ =	shalt  }
0x7b: {  	_ =	shalt  }
0x7c: {  	_ =	shalt  }
0x7d: {  	_ =	shalt  }
0x7e: {  	_ =	shalt  }
0x7f: {  	_ =	shalt  }
0x80: {  	_ =	shalt  }
0x81: {  	_ =	shalt  }
0x82: {  	_ =	shalt  }
0x83: {  	_ =	shalt  }
0x84: {  	_ =	shalt  }
0x85: {  	_ =	shalt  }
0x86: {  	_ =	shalt  }
0x87: {  	_ =	shalt  }
.Lfunc_end0:
.L_simem_size_0:
called_computation_lowered:
.L_overlay_start_0:
0x88: {  	s2 =	sld [smem:$0x3FD9]  }
0x89: {  	s3 =	sld [smem:$0x3FFE];
	_ =	sdelay $0x1  }
0x8a: {  	s1 =	srdreg.scid  }
0x8b: {  	s0 =	sand.u32 $0x1, s1  }
0x8c: {  	s17 =	sshll.u32 s0, $0xA;
	s2 =	sadd.s32 s3, s2  }
0x8d: {  	s2 =	sadd.s32 s2, s17  }
0x8e: {  	[smem:$0x3FC6] =	sst s2  }
0x8f: {  	_ = 	snop  }
0x90: {  	s2 =	sld [smem:$0x3FD0];
	(tm) =	ssettm $0x1  }
0x91: {  	s18 =	sld [smem:$0x3FFB];
	_ =	sdelay $0x3  }
0x92: {  	_ =	strace s18  }
0x93: {  	s3 =	sld [smem:$0x3FFC];
	_ =	sdelay $0x3  }
0x94: {  	_ =	strace s3  }
0x95: {  	s3 =	sld [smem:$0x3FFD];
	_ =	sdelay $0x3  }
0x96: {  	_ =	strace s3  }
0x97: {  	_ =	strace $0x8FFFFFFF  }
0x98: {  	s19 =	sld [smem:$0x3FDB];
	_ =	sdelay $0x1  }
0x99: {  	s4 =	simm.s32 $_scs_section_size  }
0x9a: {  	s5 =	simm.s32 $_size__tile_overlayer_lowered;
	s6 =	simm.s32 $_tile_overlayer_lowered  }
0x9b: {  	s22 =	simm.s32 $0x1BFF;
	s21 =	sshll.u32 s6, $0x1;
	s3 =	sadd.s32 s4, s19  }
0x9c: {  	s7 =	simm.s32 $0x0;
	s20 =	sshll.u32 s5, $0x1;
	s5 =	sadd.s32 s21, s3  }
0x9d: {  	[timem:s7], [sflag:s22] =	dma.local [hbm:s5], s20  }
0x9e: {  	_ =	swait.ge [sflag:s22], s20  }
0x9f: {  	s4 =	ssub.s32 $0x0, s20;
	[sflag:s22] =	ssyncset.done $0x0  }
0xa0: {  	[sflag:s22] =	ssyncadd.s32 s4;
	_ =	sdelay $0x1  }
0xa1: {  	s23 =	simm.s32 $0x1B8B  }
0xa2: {  	_ =	swait.ge [sflag:s23], $0x1  }
0xa3: {  	[sflag:s23] =	ssyncset.done $0x0  }
0xa4: {  	s25 =	simm.s32 $0x1B8E;
	s24 =	sld [smem:$0x3FFE];
	[sflag:s23] =	ssyncadd.s32 $0xFFFFFFFF  }
0xa5: {  	s26 =	simm.s32 $execute0_lowered;
	[smem:$0x3FD2] =	sst s25  }
0xa6: {  	s5 =	sshll.u32 s26, $0x1;
	_ =	strace $0x80000046;
	[dreg:$0x1] =	wrdreg $0xFFFFFFFF  }
0xa7: {  	s28 =	simm.s32 $_size_execute0_lowered;
	s3 =	sadd.s32 s3, s5;
	[dreg:$0x0] =	wrdreg $0x0  }
0xa8: {  	s5 =	sshll.u32 s28, $0x1;
	[dreg:$0x2] =	wrdreg s3  }
0xa9: {  	[dreg:$0x3] =	wrdreg s5  }
0xaa: {  	[dreg:$0x4] =	wrdreg $0xC0  }
0xab: {  	_ =	task [dreg:s7], $0x5FFFF  }
0xac: {  	[dreg:$0x1] =	wrdreg $0xFFFFFFFF  }
0xad: {  	[dreg:$0x0] =	wrdreg $0x60  }
0xae: {  	[dreg:$0x2] =	wrdreg s24  }
0xaf: {  	[dreg:$0x3] =	wrdreg s2  }
0xb0: {  	[dreg:$0x4] =	wrdreg $0x9  }
0xb1: {  	_ =	task.clear_ibuf [dreg:s7], $0x5FFFF;
	_ =	strace $0x90000046  }
0xb2: {  	s29 =	simm.s32 $0x9;
	_ =	strace $0x80000048  }
0xb3: {  	_ =	swait.ge [sflag:s29], $0x1  }
0xb4: {  	[sflag:s29] =	ssyncadd.s32 $0xFFFFFFFF  }
0xb5: {  	_ =	strace $0x90000048  }
0xb6: {  	_ =	sfence  }
0xb7: {  	s30 =	sld [smem:$0x0];
	_ =	sdelay $0x2  }
0xb8: {  	s31 =	sshll.u32 s1, $0xD;
	s1 =	sshrl.u32 s1, $0x2  }
0xb9: {  	s3 =	sand.u32 $0x4000, s31;
	s1 =	sadd.s32 s1, s30  }
0xba: {  	s0 =	sor.u32 s3, s0;
	s1 =	sshll.u32 s1, $0x11  }
0xbb: {  	s0 =	sor.u32 s1, s0  }
0xbc: {  	s0 =	sadd.s32 $0x8F2B, s0  }
0xbd: {  	[sflag:s0] =	ssyncadd.remote.s32 $0x1  }
0xbe: {  	_ =	sfence.sel $0xFFFF  }
0xbf: {  	[dreg:$0x0] =	wrdreg $0xFFFFFFFF;
	(pc) =	sbr.abs _section_cstart, $3  }
0xc0: {  	[dreg:$0x1] =	wrdreg $0xFFFFFFFF  }
0xc1: {  	_ =	task.clear_ibuf [dreg:s7], $0x2FFFF;
	_ =	strace $0x9FFFFFFF  }
0xc2: {  	(tm) =	ssettm $0x7FFFFFFF  }
0xc3: {  	_ =	shalt  }
tec
execute0_lowered:
.L_overlay_start_1:
0x0: {  	(tag) =	ssettag $0x1  }
0x1: {  	s3 =	rddreg [dreg:$0x0]  }
0x2: {  	s1 =	srdreg.scid;
	s0 =	stileid.u32  }
0x3: {  	s11 =	rddreg [dreg:$0x1];
	s2 =	simm.s32 $0x0;
	s15 =	simm.s32 $0x2  }
0x4: {  	s16 =	simm.s32 $0x2000;
	s17 =	simm.s32 $0x3;
	s18 =	simm.s32 $0x0  }
0x5: {  	s4 =	sand.u32 $0x1, s1;
	s5 =	sshll.u32 s0, $0x1;
	s1 =	rddreg [dreg:$0x2]  }
0x6: {  	[smem:$0x7FF] =	sst s2;
	s10 =	sor.u32 s4, s5;
	s4 =	ssub.s32 $0x2, s4  }
0x7: {  	_ =	strace $0x80000047;
	s5 =	sshll.u32 s10, $0xC;
	s31 =	sshrl.u32 s4, $0x1  }
0x8: {  	s14 =	sshll.u32 s10, $0x6;
	s12 =	sadd.s32 s5, s3;
	s13 =	ssub.s32 s4, s31  }
0x9: {  	s11 =	sadd.s32 s11, s14;
	s14 =	simm.s32 $0x1000;
	s3 =	sadd.s32 $0x200, s12  }
0xa: {  	s4 =	sadd.s32 $0x400, s12;
	s5 =	sadd.s32 $0x600, s12;
	s6 =	sadd.s32 $0x800, s12  }
0xb: {  	s7 =	sadd.s32 $0xA00, s12;
	s8 =	sadd.s32 $0xC00, s12;
	s9 =	sadd.s32 $0xE00, s12  }
0xc: {  	v0 =	vimm.f32 $0.0e+00;
	s10 =	sadd.s32 $0x1000, s12;
	s12 =	smax.u32 s13, $0x1;
	s13 =	simm.s32 $0x1  }
.LBB2_1:
0xd: {  	[tilespmem:s2], [sflag:$0x1] =	stream.linear.gather [hbm4b:s3+s2], $0x1000, $0x38;
	[tilespmem:$0x2200] =	vst v63  }
0xe: {  	_ =	swait.ge [sflag:s13], $0x1000  }
0xf: {  	[sflag:s13] =	ssyncset.done $0x0  }
0x10: {  	s20 =	simm.s32 $0x0;
	[sflag:s13] =	ssyncadd.s32 $0xFFFFF000  }
0x11: {  	[tilespmem:s14], [sflag:$0x2] =	stream.linear.gather [hbm4b:s4+s2], $0x1000, $0x38;
	[tilespmem:$0x2200] =	vst v63  }
0x12: {  	v2 =	vld [tilespmem:s20+$0x0]  }
0x13: {  	s19 =	simm.s32 $0x40;
	v1 =	vimm.f32 $0.0e+00  }
.LBB2_2:
0x14: {  	p0 =	sne.s32 s19, $0xFC0  }
.Ltmp0:
0x15: {  	_ = 	snop;
	(pc) =	sbr.rel @p0 .LBB2_2-.Ltmp0, $4  }
0x16: {  	_ = 	snop  }
0x17: {  	s20 =	sshra.s32 s19, $0x2;
	s19 =	sadd.s32 $0x40, s19;
	vm0 =	vgt.s32 v2, $0x0  }
0x18: {  	v2 =	vld [tilespmem:s20+$0x0];
	v3 =	vsel vm0, $0x3F800000, v0  }
0x19: {  	v1 =	vadd.f32 v3, v1  }
0x1a: {  	_ =	sdelay $0x2  }
0x1b: {  	vm0 =	vgt.s32 v2, $0x0  }
0x1c: {  	v2 =	vsel vm0, $0x3F800000, v0  }
0x1d: {  	v1 =	vadd.f32 v2, v1  }
0x1e: {  	s19 =	simm.s32 $0x0  }
0x1f: {  	s20 =	sand.u32 $0x3F0, s19;
	[tilespmem:$0x2000] =	vst v1  }
0x20: {  	v2 =	vld [tilespmem:s20+$0x400]  }
0x21: {  	s19 =	simm.s32 $0x10;
	v1 =	vimm.f32 $0.0e+00  }
.LBB2_4:
0x22: {  	p0 =	sne.s32 s19, $0x3F0  }
.Ltmp1:
0x23: {  	_ = 	snop;
	(pc) =	sbr.rel @p0 .LBB2_4-.Ltmp1, $4  }
0x24: {  	_ = 	snop  }
0x25: {  	s20 =	sand.u32 $0x3F0, s19;
	s19 =	sadd.s32 $0x10, s19;
	vm0 =	vgt.s32 v2, $0x0  }
0x26: {  	v2 =	vld [tilespmem:s20+$0x400];
	v3 =	vsel vm0, $0x3F800000, v0  }
0x27: {  	v1 =	vadd.f32 v3, v1  }
0x28: {  	_ =	sdelay $0x2  }
0x29: {  	vm0 =	vgt.s32 v2, $0x0  }
0x2a: {  	v2 =	vsel vm0, $0x3F800000, v0  }
0x2b: {  	v1 =	vadd.f32 v2, v1  }
0x2c: {  	s19 =	simm.s32 $0x0  }
0x2d: {  	s20 =	sand.u32 $0x3F0, s19;
	[tilespmem:$0x2010] =	vst v1  }
0x2e: {  	v2 =	vld [tilespmem:s20+$0x800]  }
0x2f: {  	s19 =	simm.s32 $0x10;
	v1 =	vimm.f32 $0.0e+00  }
.LBB2_6:
0x30: {  	p0 =	sne.s32 s19, $0x3F0  }
.Ltmp2:
0x31: {  	_ = 	snop;
	(pc) =	sbr.rel @p0 .LBB2_6-.Ltmp2, $4  }
0x32: {  	_ = 	snop  }
0x33: {  	s20 =	sand.u32 $0x3F0, s19;
	s19 =	sadd.s32 $0x10, s19;
	vm0 =	vgt.s32 v2, $0x0  }
0x34: {  	v2 =	vld [tilespmem:s20+$0x800];
	v3 =	vsel vm0, $0x3F800000, v0  }
0x35: {  	v1 =	vadd.f32 v3, v1  }
0x36: {  	_ =	sdelay $0x2  }
0x37: {  	vm0 =	vgt.s32 v2, $0x0  }
0x38: {  	v2 =	vsel vm0, $0x3F800000, v0  }
0x39: {  	v1 =	vadd.f32 v2, v1  }
0x3a: {  	s19 =	simm.s32 $0x0  }
0x3b: {  	s20 =	sand.u32 $0x3F0, s19;
	[tilespmem:$0x2020] =	vst v1  }
0x3c: {  	v2 =	vld [tilespmem:s20+$0xC00]  }
0x3d: {  	s19 =	simm.s32 $0x10;
	v1 =	vimm.f32 $0.0e+00  }
.LBB2_8:
0x3e: {  	p0 =	sne.s32 s19, $0x3F0  }
.Ltmp3:
0x3f: {  	_ = 	snop;
	(pc) =	sbr.rel @p0 .LBB2_8-.Ltmp3, $4  }
0x40: {  	_ = 	snop  }
0x41: {  	s20 =	sand.u32 $0x3F0, s19;
	s19 =	sadd.s32 $0x10, s19;
	vm0 =	vgt.s32 v2, $0x0  }
0x42: {  	v2 =	vld [tilespmem:s20+$0xC00];
	v3 =	vsel vm0, $0x3F800000, v0  }
0x43: {  	v1 =	vadd.f32 v3, v1  }
0x44: {  	_ =	sdelay $0x2  }
0x45: {  	vm0 =	vgt.s32 v2, $0x0  }
0x46: {  	v2 =	vsel vm0, $0x3F800000, v0  }
0x47: {  	v1 =	vadd.f32 v2, v1;
	_ =	sdelay $0x1  }
0x48: {  	[tilespmem:$0x2030] =	vst v1  }
0x49: {  	_ =	swait.ge [sflag:s15], $0x1000  }
0x4a: {  	[sflag:s15] =	ssyncset.done $0x0  }
0x4b: {  	s19 =	simm.s32 $0x0;
	s20 =	simm.s32 $0x0;
	[sflag:s15] =	ssyncadd.s32 $0xFFFFF000  }
0x4c: {  	[tilespmem:s19], [sflag:$0x1] =	stream.linear.gather [hbm4b:s5+s19], $0x1000, $0x38;
	[tilespmem:$0x2200] =	vst v63  }
0x4d: {  	v2 =	vld [tilespmem:s20+$0x1000]  }
0x4e: {  	v1 =	vimm.f32 $0.0e+00;
	s19 =	simm.s32 $0x40  }
.LBB2_10:
0x4f: {  	p0 =	sne.s32 s19, $0xFC0  }
.Ltmp4:
0x50: {  	_ = 	snop;
	(pc) =	sbr.rel @p0 .LBB2_10-.Ltmp4, $4  }
0x51: {  	_ = 	snop  }
0x52: {  	s20 =	sshra.s32 s19, $0x2;
	s19 =	sadd.s32 $0x40, s19;
	vm0 =	vgt.s32 v2, $0x0  }
0x53: {  	v2 =	vld [tilespmem:s20+$0x1000];
	v3 =	vsel vm0, $0x3F800000, v0  }
0x54: {  	v1 =	vadd.f32 v3, v1  }
0x55: {  	_ =	sdelay $0x2  }
0x56: {  	vm0 =	vgt.s32 v2, $0x0  }
0x57: {  	v2 =	vsel vm0, $0x3F800000, v0  }
0x58: {  	v1 =	vadd.f32 v2, v1  }
0x59: {  	s19 =	simm.s32 $0x0  }
0x5a: {  	s20 =	sand.u32 $0x3F0, s19;
	[tilespmem:$0x2040] =	vst v1  }
0x5b: {  	v2 =	vld [tilespmem:s20+$0x1400]  }
0x5c: {  	s19 =	simm.s32 $0x10;
	v1 =	vimm.f32 $0.0e+00  }
.LBB2_12:
0x5d: {  	p0 =	sne.s32 s19, $0x3F0  }
.Ltmp5:
0x5e: {  	_ = 	snop;
	(pc) =	sbr.rel @p0 .LBB2_12-.Ltmp5, $4  }
0x5f: {  	_ = 	snop  }
0x60: {  	s20 =	sand.u32 $0x3F0, s19;
	s19 =	sadd.s32 $0x10, s19;
	vm0 =	vgt.s32 v2, $0x0  }
0x61: {  	v2 =	vld [tilespmem:s20+$0x1400];
	v3 =	vsel vm0, $0x3F800000, v0  }
0x62: {  	v1 =	vadd.f32 v3, v1  }
0x63: {  	_ =	sdelay $0x2  }
0x64: {  	vm0 =	vgt.s32 v2, $0x0  }
0x65: {  	v2 =	vsel vm0, $0x3F800000, v0  }
0x66: {  	v1 =	vadd.f32 v2, v1  }
0x67: {  	s19 =	simm.s32 $0x0  }
0x68: {  	s20 =	sand.u32 $0x3F0, s19;
	[tilespmem:$0x2050] =	vst v1  }
0x69: {  	v2 =	vld [tilespmem:s20+$0x1800]  }
0x6a: {  	s19 =	simm.s32 $0x10;
	v1 =	vimm.f32 $0.0e+00  }
.LBB2_14:
0x6b: {  	p0 =	sne.s32 s19, $0x3F0  }
.Ltmp6:
0x6c: {  	_ = 	snop;
	(pc) =	sbr.rel @p0 .LBB2_14-.Ltmp6, $4  }
0x6d: {  	_ = 	snop  }
0x6e: {  	s20 =	sand.u32 $0x3F0, s19;
	s19 =	sadd.s32 $0x10, s19;
	vm0 =	vgt.s32 v2, $0x0  }
0x6f: {  	v2 =	vld [tilespmem:s20+$0x1800];
	v3 =	vsel vm0, $0x3F800000, v0  }
0x70: {  	v1 =	vadd.f32 v3, v1  }
0x71: {  	_ =	sdelay $0x2  }
0x72: {  	vm0 =	vgt.s32 v2, $0x0  }
0x73: {  	v2 =	vsel vm0, $0x3F800000, v0  }
0x74: {  	v1 =	vadd.f32 v2, v1  }
0x75: {  	s19 =	simm.s32 $0x0  }
0x76: {  	s20 =	sand.u32 $0x3F0, s19;
	[tilespmem:$0x2060] =	vst v1  }
0x77: {  	v2 =	vld [tilespmem:s20+$0x1C00]  }
0x78: {  	s19 =	simm.s32 $0x10;
	v1 =	vimm.f32 $0.0e+00  }
.LBB2_16:
0x79: {  	p0 =	sne.s32 s19, $0x3F0  }
.Ltmp7:
0x7a: {  	_ = 	snop;
	(pc) =	sbr.rel @p0 .LBB2_16-.Ltmp7, $4  }
0x7b: {  	_ = 	snop  }
0x7c: {  	s20 =	sand.u32 $0x3F0, s19;
	s19 =	sadd.s32 $0x10, s19;
	vm0 =	vgt.s32 v2, $0x0  }
0x7d: {  	v2 =	vld [tilespmem:s20+$0x1C00];
	v3 =	vsel vm0, $0x3F800000, v0  }
0x7e: {  	v1 =	vadd.f32 v3, v1  }
0x7f: {  	_ =	sdelay $0x2  }
0x80: {  	vm0 =	vgt.s32 v2, $0x0  }
0x81: {  	v2 =	vsel vm0, $0x3F800000, v0  }
0x82: {  	v1 =	vadd.f32 v2, v1;
	_ =	sdelay $0x1  }
0x83: {  	[tilespmem:$0x2070] =	vst v1  }
0x84: {  	_ =	swait.ge [sflag:s13], $0x1000  }
0x85: {  	[sflag:s13] =	ssyncset.done $0x0  }
0x86: {  	s19 =	simm.s32 $0x0;
	s20 =	simm.s32 $0x0;
	[sflag:s13] =	ssyncadd.s32 $0xFFFFF000  }
0x87: {  	[tilespmem:s14], [sflag:$0x2] =	stream.linear.gather [hbm4b:s6+s19], $0x1000, $0x38;
	[tilespmem:$0x2200] =	vst v63  }
0x88: {  	v2 =	vld [tilespmem:s20+$0x0]  }
0x89: {  	v1 =	vimm.f32 $0.0e+00;
	s19 =	simm.s32 $0x40  }
.LBB2_18:
0x8a: {  	p0 =	sne.s32 s19, $0xFC0  }
.Ltmp8:
0x8b: {  	_ = 	snop;
	(pc) =	sbr.rel @p0 .LBB2_18-.Ltmp8, $4  }
0x8c: {  	_ = 	snop  }
0x8d: {  	s20 =	sshra.s32 s19, $0x2;
	s19 =	sadd.s32 $0x40, s19;
	vm0 =	vgt.s32 v2, $0x0  }
0x8e: {  	v2 =	vld [tilespmem:s20+$0x0];
	v3 =	vsel vm0, $0x3F800000, v0  }
0x8f: {  	v1 =	vadd.f32 v3, v1  }
0x90: {  	_ =	sdelay $0x2  }
0x91: {  	vm0 =	vgt.s32 v2, $0x0  }
0x92: {  	v2 =	vsel vm0, $0x3F800000, v0  }
0x93: {  	v1 =	vadd.f32 v2, v1  }
0x94: {  	s19 =	simm.s32 $0x0  }
0x95: {  	s20 =	sand.u32 $0x3F0, s19;
	[tilespmem:$0x2080] =	vst v1  }
0x96: {  	v2 =	vld [tilespmem:s20+$0x400]  }
0x97: {  	s19 =	simm.s32 $0x10;
	v1 =	vimm.f32 $0.0e+00  }
.LBB2_20:
0x98: {  	p0 =	sne.s32 s19, $0x3F0  }
.Ltmp9:
0x99: {  	_ = 	snop;
	(pc) =	sbr.rel @p0 .LBB2_20-.Ltmp9, $4  }
0x9a: {  	_ = 	snop  }
0x9b: {  	s20 =	sand.u32 $0x3F0, s19;
	s19 =	sadd.s32 $0x10, s19;
	vm0 =	vgt.s32 v2, $0x0  }
0x9c: {  	v2 =	vld [tilespmem:s20+$0x400];
	v3 =	vsel vm0, $0x3F800000, v0  }
0x9d: {  	v1 =	vadd.f32 v3, v1  }
0x9e: {  	_ =	sdelay $0x2  }
0x9f: {  	vm0 =	vgt.s32 v2, $0x0  }
0xa0: {  	v2 =	vsel vm0, $0x3F800000, v0  }
0xa1: {  	v1 =	vadd.f32 v2, v1  }
0xa2: {  	s19 =	simm.s32 $0x0  }
0xa3: {  	s20 =	sand.u32 $0x3F0, s19;
	[tilespmem:$0x2090] =	vst v1  }
0xa4: {  	v2 =	vld [tilespmem:s20+$0x800]  }
0xa5: {  	s19 =	simm.s32 $0x10;
	v1 =	vimm.f32 $0.0e+00  }
.LBB2_22:
0xa6: {  	p0 =	sne.s32 s19, $0x3F0  }
.Ltmp10:
0xa7: {  	_ = 	snop;
	(pc) =	sbr.rel @p0 .LBB2_22-.Ltmp10, $4  }
0xa8: {  	_ = 	snop  }
0xa9: {  	s20 =	sand.u32 $0x3F0, s19;
	s19 =	sadd.s32 $0x10, s19;
	vm0 =	vgt.s32 v2, $0x0  }
0xaa: {  	v2 =	vld [tilespmem:s20+$0x800];
	v3 =	vsel vm0, $0x3F800000, v0  }
0xab: {  	v1 =	vadd.f32 v3, v1  }
0xac: {  	_ =	sdelay $0x2  }
0xad: {  	vm0 =	vgt.s32 v2, $0x0  }
0xae: {  	v2 =	vsel vm0, $0x3F800000, v0  }
0xaf: {  	v1 =	vadd.f32 v2, v1  }
0xb0: {  	s19 =	simm.s32 $0x0  }
0xb1: {  	s20 =	sand.u32 $0x3F0, s19;
	[tilespmem:$0x20A0] =	vst v1  }
0xb2: {  	v2 =	vld [tilespmem:s20+$0xC00]  }
0xb3: {  	s19 =	simm.s32 $0x10;
	v1 =	vimm.f32 $0.0e+00  }
.LBB2_24:
0xb4: {  	p0 =	sne.s32 s19, $0x3F0  }
.Ltmp11:
0xb5: {  	_ = 	snop;
	(pc) =	sbr.rel @p0 .LBB2_24-.Ltmp11, $4  }
0xb6: {  	_ = 	snop  }
0xb7: {  	s20 =	sand.u32 $0x3F0, s19;
	s19 =	sadd.s32 $0x10, s19;
	vm0 =	vgt.s32 v2, $0x0  }
0xb8: {  	v2 =	vld [tilespmem:s20+$0xC00];
	v3 =	vsel vm0, $0x3F800000, v0  }
0xb9: {  	v1 =	vadd.f32 v3, v1  }
0xba: {  	_ =	sdelay $0x2  }
0xbb: {  	vm0 =	vgt.s32 v2, $0x0  }
0xbc: {  	v2 =	vsel vm0, $0x3F800000, v0  }
0xbd: {  	v1 =	vadd.f32 v2, v1;
	_ =	sdelay $0x1  }
0xbe: {  	[tilespmem:$0x20B0] =	vst v1  }
0xbf: {  	_ =	swait.ge [sflag:s15], $0x1000  }
0xc0: {  	[sflag:s15] =	ssyncset.done $0x0  }
0xc1: {  	s19 =	simm.s32 $0x0;
	s20 =	simm.s32 $0x0;
	[sflag:s15] =	ssyncadd.s32 $0xFFFFF000  }
0xc2: {  	[tilespmem:s19], [sflag:$0x1] =	stream.linear.gather [hbm4b:s7+s19], $0x1000, $0x38;
	[tilespmem:$0x2200] =	vst v63  }
0xc3: {  	v2 =	vld [tilespmem:s20+$0x1000]  }
0xc4: {  	v1 =	vimm.f32 $0.0e+00;
	s19 =	simm.s32 $0x40  }
.LBB2_26:
0xc5: {  	p0 =	sne.s32 s19, $0xFC0  }
.Ltmp12:
0xc6: {  	_ = 	snop;
	(pc) =	sbr.rel @p0 .LBB2_26-.Ltmp12, $4  }
0xc7: {  	_ = 	snop  }
0xc8: {  	s20 =	sshra.s32 s19, $0x2;
	s19 =	sadd.s32 $0x40, s19;
	vm0 =	vgt.s32 v2, $0x0  }
0xc9: {  	v2 =	vld [tilespmem:s20+$0x1000];
	v3 =	vsel vm0, $0x3F800000, v0  }
0xca: {  	v1 =	vadd.f32 v3, v1  }
0xcb: {  	_ =	sdelay $0x2  }
0xcc: {  	vm0 =	vgt.s32 v2, $0x0  }
0xcd: {  	v2 =	vsel vm0, $0x3F800000, v0  }
0xce: {  	v1 =	vadd.f32 v2, v1  }
0xcf: {  	s19 =	simm.s32 $0x0  }
0xd0: {  	s20 =	sand.u32 $0x3F0, s19;
	[tilespmem:$0x20C0] =	vst v1  }
0xd1: {  	v2 =	vld [tilespmem:s20+$0x1400]  }
0xd2: {  	s19 =	simm.s32 $0x10;
	v1 =	vimm.f32 $0.0e+00  }
.LBB2_28:
0xd3: {  	p0 =	sne.s32 s19, $0x3F0  }
.Ltmp13:
0xd4: {  	_ = 	snop;
	(pc) =	sbr.rel @p0 .LBB2_28-.Ltmp13, $4  }
0xd5: {  	_ = 	snop  }
0xd6: {  	s20 =	sand.u32 $0x3F0, s19;
	s19 =	sadd.s32 $0x10, s19;
	vm0 =	vgt.s32 v2, $0x0  }
0xd7: {  	v2 =	vld [tilespmem:s20+$0x1400];
	v3 =	vsel vm0, $0x3F800000, v0  }
0xd8: {  	v1 =	vadd.f32 v3, v1  }
0xd9: {  	_ =	sdelay $0x2  }
0xda: {  	vm0 =	vgt.s32 v2, $0x0  }
0xdb: {  	v2 =	vsel vm0, $0x3F800000, v0  }
0xdc: {  	v1 =	vadd.f32 v2, v1  }
0xdd: {  	s19 =	simm.s32 $0x0  }
0xde: {  	s20 =	sand.u32 $0x3F0, s19;
	[tilespmem:$0x20D0] =	vst v1  }
0xdf: {  	v2 =	vld [tilespmem:s20+$0x1800]  }
0xe0: {  	s19 =	simm.s32 $0x10;
	v1 =	vimm.f32 $0.0e+00  }
.LBB2_30:
0xe1: {  	p0 =	sne.s32 s19, $0x3F0  }
.Ltmp14:
0xe2: {  	_ = 	snop;
	(pc) =	sbr.rel @p0 .LBB2_30-.Ltmp14, $4  }
0xe3: {  	_ = 	snop  }
0xe4: {  	s20 =	sand.u32 $0x3F0, s19;
	s19 =	sadd.s32 $0x10, s19;
	vm0 =	vgt.s32 v2, $0x0  }
0xe5: {  	v2 =	vld [tilespmem:s20+$0x1800];
	v3 =	vsel vm0, $0x3F800000, v0  }
0xe6: {  	v1 =	vadd.f32 v3, v1  }
0xe7: {  	_ =	sdelay $0x2  }
0xe8: {  	vm0 =	vgt.s32 v2, $0x0  }
0xe9: {  	v2 =	vsel vm0, $0x3F800000, v0  }
0xea: {  	v1 =	vadd.f32 v2, v1  }
0xeb: {  	s19 =	simm.s32 $0x0  }
0xec: {  	s20 =	sand.u32 $0x3F0, s19;
	[tilespmem:$0x20E0] =	vst v1  }
0xed: {  	v2 =	vld [tilespmem:s20+$0x1C00]  }
0xee: {  	s19 =	simm.s32 $0x10;
	v1 =	vimm.f32 $0.0e+00  }
.LBB2_32:
0xef: {  	p0 =	sne.s32 s19, $0x3F0  }
.Ltmp15:
0xf0: {  	_ = 	snop;
	(pc) =	sbr.rel @p0 .LBB2_32-.Ltmp15, $4  }
0xf1: {  	_ = 	snop  }
0xf2: {  	s20 =	sand.u32 $0x3F0, s19;
	s19 =	sadd.s32 $0x10, s19;
	vm0 =	vgt.s32 v2, $0x0  }
0xf3: {  	v2 =	vld [tilespmem:s20+$0x1C00];
	v3 =	vsel vm0, $0x3F800000, v0  }
0xf4: {  	v1 =	vadd.f32 v3, v1  }
0xf5: {  	_ =	sdelay $0x2  }
0xf6: {  	vm0 =	vgt.s32 v2, $0x0  }
0xf7: {  	v2 =	vsel vm0, $0x3F800000, v0  }
0xf8: {  	v1 =	vadd.f32 v2, v1;
	_ =	sdelay $0x1  }
0xf9: {  	[tilespmem:$0x20F0] =	vst v1  }
0xfa: {  	_ =	swait.ge [sflag:s13], $0x1000  }
0xfb: {  	[sflag:s13] =	ssyncset.done $0x0  }
0xfc: {  	s19 =	simm.s32 $0x0;
	s20 =	simm.s32 $0x0;
	[sflag:s13] =	ssyncadd.s32 $0xFFFFF000  }
0xfd: {  	[tilespmem:s14], [sflag:$0x2] =	stream.linear.gather [hbm4b:s8+s19], $0x1000, $0x38;
	[tilespmem:$0x2200] =	vst v63  }
0xfe: {  	v2 =	vld [tilespmem:s20+$0x0]  }
0xff: {  	v1 =	vimm.f32 $0.0e+00;
	s19 =	simm.s32 $0x40  }
.LBB2_34:
0x100: {  	p0 =	sne.s32 s19, $0xFC0  }
.Ltmp16:
0x101: {  	_ = 	snop;
	(pc) =	sbr.rel @p0 .LBB2_34-.Ltmp16, $4  }
0x102: {  	_ = 	snop  }
0x103: {  	s20 =	sshra.s32 s19, $0x2;
	s19 =	sadd.s32 $0x40, s19;
	vm0 =	vgt.s32 v2, $0x0  }
0x104: {  	v2 =	vld [tilespmem:s20+$0x0];
	v3 =	vsel vm0, $0x3F800000, v0  }
0x105: {  	v1 =	vadd.f32 v3, v1  }
0x106: {  	_ =	sdelay $0x2  }
0x107: {  	vm0 =	vgt.s32 v2, $0x0  }
0x108: {  	v2 =	vsel vm0, $0x3F800000, v0  }
0x109: {  	v1 =	vadd.f32 v2, v1  }
0x10a: {  	s19 =	simm.s32 $0x0  }
0x10b: {  	s20 =	sand.u32 $0x3F0, s19;
	[tilespmem:$0x2100] =	vst v1  }
0x10c: {  	v2 =	vld [tilespmem:s20+$0x400]  }
0x10d: {  	s19 =	simm.s32 $0x10;
	v1 =	vimm.f32 $0.0e+00  }
.LBB2_36:
0x10e: {  	p0 =	sne.s32 s19, $0x3F0  }
.Ltmp17:
0x10f: {  	_ = 	snop;
	(pc) =	sbr.rel @p0 .LBB2_36-.Ltmp17, $4  }
0x110: {  	_ = 	snop  }
0x111: {  	s20 =	sand.u32 $0x3F0, s19;
	s19 =	sadd.s32 $0x10, s19;
	vm0 =	vgt.s32 v2, $0x0  }
0x112: {  	v2 =	vld [tilespmem:s20+$0x400];
	v3 =	vsel vm0, $0x3F800000, v0  }
0x113: {  	v1 =	vadd.f32 v3, v1  }
0x114: {  	_ =	sdelay $0x2  }
0x115: {  	vm0 =	vgt.s32 v2, $0x0  }
0x116: {  	v2 =	vsel vm0, $0x3F800000, v0  }
0x117: {  	v1 =	vadd.f32 v2, v1  }
0x118: {  	s19 =	simm.s32 $0x0  }
0x119: {  	s20 =	sand.u32 $0x3F0, s19;
	[tilespmem:$0x2110] =	vst v1  }
0x11a: {  	v2 =	vld [tilespmem:s20+$0x800]  }
0x11b: {  	s19 =	simm.s32 $0x10;
	v1 =	vimm.f32 $0.0e+00  }
.LBB2_38:
0x11c: {  	p0 =	sne.s32 s19, $0x3F0  }
.Ltmp18:
0x11d: {  	_ = 	snop;
	(pc) =	sbr.rel @p0 .LBB2_38-.Ltmp18, $4  }
0x11e: {  	_ = 	snop  }
0x11f: {  	s20 =	sand.u32 $0x3F0, s19;
	s19 =	sadd.s32 $0x10, s19;
	vm0 =	vgt.s32 v2, $0x0  }
0x120: {  	v2 =	vld [tilespmem:s20+$0x800];
	v3 =	vsel vm0, $0x3F800000, v0  }
0x121: {  	v1 =	vadd.f32 v3, v1  }
0x122: {  	_ =	sdelay $0x2  }
0x123: {  	vm0 =	vgt.s32 v2, $0x0  }
0x124: {  	v2 =	vsel vm0, $0x3F800000, v0  }
0x125: {  	v1 =	vadd.f32 v2, v1  }
0x126: {  	s19 =	simm.s32 $0x0  }
0x127: {  	s20 =	sand.u32 $0x3F0, s19;
	[tilespmem:$0x2120] =	vst v1  }
0x128: {  	v2 =	vld [tilespmem:s20+$0xC00]  }
0x129: {  	s19 =	simm.s32 $0x10;
	v1 =	vimm.f32 $0.0e+00  }
.LBB2_40:
0x12a: {  	p0 =	sne.s32 s19, $0x3F0  }
.Ltmp19:
0x12b: {  	_ = 	snop;
	(pc) =	sbr.rel @p0 .LBB2_40-.Ltmp19, $4  }
0x12c: {  	_ = 	snop  }
0x12d: {  	s20 =	sand.u32 $0x3F0, s19;
	s19 =	sadd.s32 $0x10, s19;
	vm0 =	vgt.s32 v2, $0x0  }
0x12e: {  	v2 =	vld [tilespmem:s20+$0xC00];
	v3 =	vsel vm0, $0x3F800000, v0  }
0x12f: {  	v1 =	vadd.f32 v3, v1  }
0x130: {  	_ =	sdelay $0x2  }
0x131: {  	vm0 =	vgt.s32 v2, $0x0  }
0x132: {  	v2 =	vsel vm0, $0x3F800000, v0  }
0x133: {  	v1 =	vadd.f32 v2, v1;
	_ =	sdelay $0x1  }
0x134: {  	[tilespmem:$0x2130] =	vst v1  }
0x135: {  	_ =	swait.ge [sflag:s15], $0x1000  }
0x136: {  	[sflag:s15] =	ssyncset.done $0x0  }
0x137: {  	s19 =	simm.s32 $0x0;
	s20 =	simm.s32 $0x0;
	[sflag:s15] =	ssyncadd.s32 $0xFFFFF000  }
0x138: {  	[tilespmem:s19], [sflag:$0x1] =	stream.linear.gather [hbm4b:s9+s19], $0x1000, $0x38;
	[tilespmem:$0x2200] =	vst v63  }
0x139: {  	v2 =	vld [tilespmem:s20+$0x1000]  }
0x13a: {  	v1 =	vimm.f32 $0.0e+00;
	s19 =	simm.s32 $0x40  }
.LBB2_42:
0x13b: {  	p0 =	sne.s32 s19, $0xFC0  }
.Ltmp20:
0x13c: {  	_ = 	snop;
	(pc) =	sbr.rel @p0 .LBB2_42-.Ltmp20, $4  }
0x13d: {  	_ = 	snop  }
0x13e: {  	s20 =	sshra.s32 s19, $0x2;
	s19 =	sadd.s32 $0x40, s19;
	vm0 =	vgt.s32 v2, $0x0  }
0x13f: {  	v2 =	vld [tilespmem:s20+$0x1000];
	v3 =	vsel vm0, $0x3F800000, v0  }
0x140: {  	v1 =	vadd.f32 v3, v1  }
0x141: {  	_ =	sdelay $0x2  }
0x142: {  	vm0 =	vgt.s32 v2, $0x0  }
0x143: {  	v2 =	vsel vm0, $0x3F800000, v0  }
0x144: {  	v1 =	vadd.f32 v2, v1  }
0x145: {  	s19 =	simm.s32 $0x0  }
0x146: {  	s20 =	sand.u32 $0x3F0, s19;
	[tilespmem:$0x2140] =	vst v1  }
0x147: {  	v2 =	vld [tilespmem:s20+$0x1400]  }
0x148: {  	s19 =	simm.s32 $0x10;
	v1 =	vimm.f32 $0.0e+00  }
.LBB2_44:
0x149: {  	p0 =	sne.s32 s19, $0x3F0  }
.Ltmp21:
0x14a: {  	_ = 	snop;
	(pc) =	sbr.rel @p0 .LBB2_44-.Ltmp21, $4  }
0x14b: {  	_ = 	snop  }
0x14c: {  	s20 =	sand.u32 $0x3F0, s19;
	s19 =	sadd.s32 $0x10, s19;
	vm0 =	vgt.s32 v2, $0x0  }
0x14d: {  	v2 =	vld [tilespmem:s20+$0x1400];
	v3 =	vsel vm0, $0x3F800000, v0  }
0x14e: {  	v1 =	vadd.f32 v3, v1  }
0x14f: {  	_ =	sdelay $0x2  }
0x150: {  	vm0 =	vgt.s32 v2, $0x0  }
0x151: {  	v2 =	vsel vm0, $0x3F800000, v0  }
0x152: {  	v1 =	vadd.f32 v2, v1  }
0x153: {  	s19 =	simm.s32 $0x0  }
0x154: {  	s20 =	sand.u32 $0x3F0, s19;
	[tilespmem:$0x2150] =	vst v1  }
0x155: {  	v2 =	vld [tilespmem:s20+$0x1800]  }
0x156: {  	s19 =	simm.s32 $0x10;
	v1 =	vimm.f32 $0.0e+00  }
.LBB2_46:
0x157: {  	p0 =	sne.s32 s19, $0x3F0  }
.Ltmp22:
0x158: {  	_ = 	snop;
	(pc) =	sbr.rel @p0 .LBB2_46-.Ltmp22, $4  }
0x159: {  	_ = 	snop  }
0x15a: {  	s20 =	sand.u32 $0x3F0, s19;
	s19 =	sadd.s32 $0x10, s19;
	vm0 =	vgt.s32 v2, $0x0  }
0x15b: {  	v2 =	vld [tilespmem:s20+$0x1800];
	v3 =	vsel vm0, $0x3F800000, v0  }
0x15c: {  	v1 =	vadd.f32 v3, v1  }
0x15d: {  	_ =	sdelay $0x2  }
0x15e: {  	vm0 =	vgt.s32 v2, $0x0  }
0x15f: {  	v2 =	vsel vm0, $0x3F800000, v0  }
0x160: {  	v1 =	vadd.f32 v2, v1  }
0x161: {  	s19 =	simm.s32 $0x0  }
0x162: {  	s20 =	sand.u32 $0x3F0, s19;
	[tilespmem:$0x2160] =	vst v1  }
0x163: {  	v2 =	vld [tilespmem:s20+$0x1C00]  }
0x164: {  	s19 =	simm.s32 $0x10;
	v1 =	vimm.f32 $0.0e+00  }
.LBB2_48:
0x165: {  	p0 =	sne.s32 s19, $0x3F0  }
.Ltmp23:
0x166: {  	_ = 	snop;
	(pc) =	sbr.rel @p0 .LBB2_48-.Ltmp23, $4  }
0x167: {  	_ = 	snop  }
0x168: {  	s20 =	sand.u32 $0x3F0, s19;
	s19 =	sadd.s32 $0x10, s19;
	vm0 =	vgt.s32 v2, $0x0  }
0x169: {  	v2 =	vld [tilespmem:s20+$0x1C00];
	v3 =	vsel vm0, $0x3F800000, v0  }
0x16a: {  	v1 =	vadd.f32 v3, v1  }
0x16b: {  	_ =	sdelay $0x2  }
0x16c: {  	vm0 =	vgt.s32 v2, $0x0  }
0x16d: {  	v2 =	vsel vm0, $0x3F800000, v0  }
0x16e: {  	v1 =	vadd.f32 v2, v1;
	_ =	sdelay $0x1  }
0x16f: {  	[tilespmem:$0x2170] =	vst v1  }
0x170: {  	_ =	swait.ge [sflag:s13], $0x1000  }
0x171: {  	[sflag:s13] =	ssyncset.done $0x0  }
0x172: {  	s19 =	simm.s32 $0x0;
	s20 =	simm.s32 $0x0;
	[sflag:s13] =	ssyncadd.s32 $0xFFFFF000  }
0x173: {  	[tilespmem:s14], [sflag:$0x2] =	stream.linear.gather [hbm4b:s10+s19], $0x1000, $0x38;
	[tilespmem:$0x2200] =	vst v63  }
0x174: {  	v2 =	vld [tilespmem:s20+$0x0]  }
0x175: {  	v1 =	vimm.f32 $0.0e+00;
	s19 =	simm.s32 $0x40  }
.LBB2_50:
0x176: {  	p0 =	sne.s32 s19, $0xFC0  }
.Ltmp24:
0x177: {  	_ = 	snop;
	(pc) =	sbr.rel @p0 .LBB2_50-.Ltmp24, $4  }
0x178: {  	_ = 	snop  }
0x179: {  	s20 =	sshra.s32 s19, $0x2;
	s19 =	sadd.s32 $0x40, s19;
	vm0 =	vgt.s32 v2, $0x0  }
0x17a: {  	v2 =	vld [tilespmem:s20+$0x0];
	v3 =	vsel vm0, $0x3F800000, v0  }
0x17b: {  	v1 =	vadd.f32 v3, v1  }
0x17c: {  	_ =	sdelay $0x2  }
0x17d: {  	vm0 =	vgt.s32 v2, $0x0  }
0x17e: {  	v2 =	vsel vm0, $0x3F800000, v0  }
0x17f: {  	v1 =	vadd.f32 v2, v1  }
0x180: {  	s19 =	simm.s32 $0x0  }
0x181: {  	s20 =	sand.u32 $0x3F0, s19;
	[tilespmem:$0x2180] =	vst v1  }
0x182: {  	v2 =	vld [tilespmem:s20+$0x400]  }
0x183: {  	s19 =	simm.s32 $0x10;
	v1 =	vimm.f32 $0.0e+00  }
.LBB2_52:
0x184: {  	p0 =	sne.s32 s19, $0x3F0  }
.Ltmp25:
0x185: {  	_ = 	snop;
	(pc) =	sbr.rel @p0 .LBB2_52-.Ltmp25, $4  }
0x186: {  	_ = 	snop  }
0x187: {  	s20 =	sand.u32 $0x3F0, s19;
	s19 =	sadd.s32 $0x10, s19;
	vm0 =	vgt.s32 v2, $0x0  }
0x188: {  	v2 =	vld [tilespmem:s20+$0x400];
	v3 =	vsel vm0, $0x3F800000, v0  }
0x189: {  	v1 =	vadd.f32 v3, v1  }
0x18a: {  	_ =	sdelay $0x2  }
0x18b: {  	vm0 =	vgt.s32 v2, $0x0  }
0x18c: {  	v2 =	vsel vm0, $0x3F800000, v0  }
0x18d: {  	v1 =	vadd.f32 v2, v1  }
0x18e: {  	s19 =	simm.s32 $0x0  }
0x18f: {  	s20 =	sand.u32 $0x3F0, s19;
	[tilespmem:$0x2190] =	vst v1  }
0x190: {  	v2 =	vld [tilespmem:s20+$0x800]  }
0x191: {  	s19 =	simm.s32 $0x10;
	v1 =	vimm.f32 $0.0e+00  }
.LBB2_54:
0x192: {  	p0 =	sne.s32 s19, $0x3F0  }
.Ltmp26:
0x193: {  	_ = 	snop;
	(pc) =	sbr.rel @p0 .LBB2_54-.Ltmp26, $4  }
0x194: {  	_ = 	snop  }
0x195: {  	s20 =	sand.u32 $0x3F0, s19;
	s19 =	sadd.s32 $0x10, s19;
	vm0 =	vgt.s32 v2, $0x0  }
0x196: {  	v2 =	vld [tilespmem:s20+$0x800];
	v3 =	vsel vm0, $0x3F800000, v0  }
0x197: {  	v1 =	vadd.f32 v3, v1  }
0x198: {  	_ =	sdelay $0x2  }
0x199: {  	vm0 =	vgt.s32 v2, $0x0  }
0x19a: {  	v2 =	vsel vm0, $0x3F800000, v0  }
0x19b: {  	v1 =	vadd.f32 v2, v1  }
0x19c: {  	s19 =	simm.s32 $0x0  }
0x19d: {  	s20 =	sand.u32 $0x3F0, s19;
	[tilespmem:$0x21A0] =	vst v1  }
0x19e: {  	v2 =	vld [tilespmem:s20+$0xC00]  }
0x19f: {  	s19 =	simm.s32 $0x10;
	v1 =	vimm.f32 $0.0e+00  }
.LBB2_56:
0x1a0: {  	p0 =	sne.s32 s19, $0x3F0  }
.Ltmp27:
0x1a1: {  	_ = 	snop;
	(pc) =	sbr.rel @p0 .LBB2_56-.Ltmp27, $4  }
0x1a2: {  	_ = 	snop  }
0x1a3: {  	s20 =	sand.u32 $0x3F0, s19;
	s19 =	sadd.s32 $0x10, s19;
	vm0 =	vgt.s32 v2, $0x0  }
0x1a4: {  	v2 =	vld [tilespmem:s20+$0xC00];
	v3 =	vsel vm0, $0x3F800000, v0  }
0x1a5: {  	v1 =	vadd.f32 v3, v1  }
0x1a6: {  	_ =	sdelay $0x2  }
0x1a7: {  	vm0 =	vgt.s32 v2, $0x0  }
0x1a8: {  	v2 =	vsel vm0, $0x3F800000, v0  }
0x1a9: {  	v1 =	vadd.f32 v2, v1;
	_ =	sdelay $0x1  }
0x1aa: {  	[tilespmem:$0x21B0] =	vst v1  }
0x1ab: {  	_ =	swait.ge [sflag:s15], $0x1000  }
0x1ac: {  	[sflag:s15] =	ssyncset.done $0x0  }
0x1ad: {  	s20 =	simm.s32 $0x0;
	[sflag:s15] =	ssyncadd.s32 $0xFFFFF000  }
0x1ae: {  	v2 =	vld [tilespmem:s20+$0x1000]  }
0x1af: {  	s19 =	simm.s32 $0x40;
	v1 =	vimm.f32 $0.0e+00  }
.LBB2_58:
0x1b0: {  	p0 =	sne.s32 s19, $0xFC0  }
.Ltmp28:
0x1b1: {  	_ = 	snop;
	(pc) =	sbr.rel @p0 .LBB2_58-.Ltmp28, $4  }
0x1b2: {  	_ = 	snop  }
0x1b3: {  	s20 =	sshra.s32 s19, $0x2;
	s19 =	sadd.s32 $0x40, s19;
	vm0 =	vgt.s32 v2, $0x0  }
0x1b4: {  	v2 =	vld [tilespmem:s20+$0x1000];
	v3 =	vsel vm0, $0x3F800000, v0  }
0x1b5: {  	v1 =	vadd.f32 v3, v1  }
0x1b6: {  	_ =	sdelay $0x2  }
0x1b7: {  	vm0 =	vgt.s32 v2, $0x0  }
0x1b8: {  	v2 =	vsel vm0, $0x3F800000, v0  }
0x1b9: {  	v1 =	vadd.f32 v2, v1  }
0x1ba: {  	s19 =	simm.s32 $0x0  }
0x1bb: {  	s20 =	sand.u32 $0x3F0, s19;
	[tilespmem:$0x21C0] =	vst v1  }
0x1bc: {  	v2 =	vld [tilespmem:s20+$0x1400]  }
0x1bd: {  	s19 =	simm.s32 $0x10;
	v1 =	vimm.f32 $0.0e+00  }
.LBB2_60:
0x1be: {  	p0 =	sne.s32 s19, $0x3F0  }
.Ltmp29:
0x1bf: {  	_ = 	snop;
	(pc) =	sbr.rel @p0 .LBB2_60-.Ltmp29, $4  }
0x1c0: {  	_ = 	snop  }
0x1c1: {  	s20 =	sand.u32 $0x3F0, s19;
	s19 =	sadd.s32 $0x10, s19;
	vm0 =	vgt.s32 v2, $0x0  }
0x1c2: {  	v2 =	vld [tilespmem:s20+$0x1400];
	v3 =	vsel vm0, $0x3F800000, v0  }
0x1c3: {  	v1 =	vadd.f32 v3, v1  }
0x1c4: {  	_ =	sdelay $0x2  }
0x1c5: {  	vm0 =	vgt.s32 v2, $0x0  }
0x1c6: {  	v2 =	vsel vm0, $0x3F800000, v0  }
0x1c7: {  	v1 =	vadd.f32 v2, v1  }
0x1c8: {  	s19 =	simm.s32 $0x0  }
0x1c9: {  	s20 =	sand.u32 $0x3F0, s19;
	[tilespmem:$0x21D0] =	vst v1  }
0x1ca: {  	v2 =	vld [tilespmem:s20+$0x1800]  }
0x1cb: {  	s19 =	simm.s32 $0x10;
	v1 =	vimm.f32 $0.0e+00  }
.LBB2_62:
0x1cc: {  	p0 =	sne.s32 s19, $0x3F0  }
.Ltmp30:
0x1cd: {  	_ = 	snop;
	(pc) =	sbr.rel @p0 .LBB2_62-.Ltmp30, $4  }
0x1ce: {  	_ = 	snop  }
0x1cf: {  	s20 =	sand.u32 $0x3F0, s19;
	s19 =	sadd.s32 $0x10, s19;
	vm0 =	vgt.s32 v2, $0x0  }
0x1d0: {  	v2 =	vld [tilespmem:s20+$0x1800];
	v3 =	vsel vm0, $0x3F800000, v0  }
0x1d1: {  	v1 =	vadd.f32 v3, v1  }
0x1d2: {  	_ =	sdelay $0x2  }
0x1d3: {  	vm0 =	vgt.s32 v2, $0x0  }
0x1d4: {  	v2 =	vsel vm0, $0x3F800000, v0  }
0x1d5: {  	v1 =	vadd.f32 v2, v1  }
0x1d6: {  	s19 =	simm.s32 $0x0  }
0x1d7: {  	s20 =	sand.u32 $0x3F0, s19;
	[tilespmem:$0x21E0] =	vst v1  }
0x1d8: {  	v2 =	vld [tilespmem:s20+$0x1C00]  }
0x1d9: {  	s19 =	simm.s32 $0x10;
	v1 =	vimm.f32 $0.0e+00  }
.LBB2_64:
0x1da: {  	p0 =	sne.s32 s19, $0x3F0  }
.Ltmp31:
0x1db: {  	_ = 	snop;
	(pc) =	sbr.rel @p0 .LBB2_64-.Ltmp31, $4  }
0x1dc: {  	_ = 	snop  }
0x1dd: {  	s20 =	sand.u32 $0x3F0, s19;
	s19 =	sadd.s32 $0x10, s19;
	vm0 =	vgt.s32 v2, $0x0  }
0x1de: {  	v2 =	vld [tilespmem:s20+$0x1C00];
	v3 =	vsel vm0, $0x3F800000, v0  }
0x1df: {  	v1 =	vadd.f32 v3, v1  }
0x1e0: {  	_ =	sdelay $0x2  }
0x1e1: {  	vm0 =	vgt.s32 v2, $0x0  }
0x1e2: {  	v2 =	vsel vm0, $0x3F800000, v0  }
0x1e3: {  	s18 =	sadd.s32 $0x1, s18;
	v1 =	vadd.f32 v2, v1  }
0x1e4: {  	p0 =	sne.s32 s18, s12  }
.Ltmp32:
0x1e5: {  	[tilespmem:$0x21F0] =	vst v1;
	(pc) =	sbr.rel @p0 .LBB2_1-.Ltmp32, $4  }
0x1e6: {  	[hbm4b:s11+s2] =	stream.linear.scatter [tilespmem:s16], [sflag:$0x3], $0x200, $0x38;
	[tilespmem:$0x2200] =	vst v63  }
0x1e7: {  	_ =	swait.ge [sflag:s17], $0x200  }
0x1e8: {  	[sflag:s17] =	ssyncset.done $0x0  }
0x1e9: {  	[sflag:s17] =	ssyncadd.s32 $0xFFFFFE00  }
0x1ea: {  	_ =	sfence.sel $0x180000  }
0x1eb: {  	[bflag:$0x0] =	sbarrier.arrive $0xFFFF  }
0x1ec: {  	p0 =	sne.s32 s0, $0x0;
	_ =	strace $0x90000047  }
0x1ed: {  	s0 =	sadd.s32 @!p0 $0x100000, s1;
	[bflag:$0x2] =	sbarrier.arrive $0xFFFF  }
0x1ee: {  	[sflag:s0] =	ssyncadd.tile.s32 @!p0 $0x1;
	_ =	shalt  }
.Lfunc_end2:
_tile_overlayer_lowered:
.L_overlay_start_2:
0x1ef: {  	(tag) =	ssettag $0x2  }
0x1f0: {  	s0 =	rddreg [dreg:$0x0];
	s2 =	stileid.u32  }
0x1f1: {  	s1 =	rddreg [dreg:$0x1];
	p0 =	sne.s32 s2, $0x0  }
0x1f2: {  	s3 =	rddreg [dreg:$0x2];
	[bflag:$0x3] =	sbarrier.arrive $0xFFFF;
	s2 =	simm.s32 @!p0 $0x1C03  }
0x1f3: {  	[timem:s3], [sflag:s2] =	dma.local @!p0 [hbm:s0], s1  }
0x1f4: {  	s0 =	simm.s32 @!p0 $0x3  }
0x1f5: {  	_ =	swait.ge @!p0 [sflag:s0], s1  }
0x1f6: {  	s1 =	ssub.s32 @!p0 $0x0, s1;
	[sflag:s0] =	ssyncset.done @!p0 $0x0  }
0x1f7: {  	[sflag:s0] =	ssyncadd.s32 @!p0 s1  }
0x1f8: {  	[bflag:$0x3] =	sbarrier.arrive $0xFFFF  }
0x1f9: {  	_ =	shalt  }

</sc_bundles>
